<compile_context>
chip_gen: v7x
topology: tpu7x:2x2x1
jax: 0.10.2.dev20260603
libtpu: 0.0.44.dev20260713+nightly
codegen_flags: <defaults>
</compile_context>

<pallas_src>
import functools

import jax
import jax.numpy as jnp
from jax import lax
from jax.experimental import pallas as pl
from jax.experimental.pallas import tpu as pltpu
from jax.experimental.pallas import tpu_sc as plsc

_N = 10000
_E = 320000
_H = 4
_HID = 32
_D = 128
_SLOPE = 0.2

_NC = 2
_NS = 16
_NW = _NC * _NS
_EPW = _E // _NW
_K = 80
_CH = _EPW // _K
_RSH = 640
_RCH = 80

_mesh = plsc.VectorSubcoreMesh(core_axis_name="c", subcore_axis_name="s")
_sc_params = pltpu.CompilerParams(use_tc_tiling_on_sc=False,
                                  needs_layout_passes=False)


def _prep_body(x_ref, wt_ref, b_ref, a2w_ref, h_ref, a2t_ref, c_ref):
    h = jnp.dot(x_ref[...], wt_ref[...], preferred_element_type=jnp.float32)
    h = h + b_ref[...]
    h_ref[...] = h
    a2t = lax.dot_general(a2w_ref[...], h, (((1,), (1,)), ((), ())),
                          preferred_element_type=jnp.float32)
    a2t_ref[...] = a2t
    c = jnp.maximum(jnp.max(a2t[:_H]) + jnp.max(a2t[_H:]), 0.0)
    c_ref[...] = jnp.full((1, 128), c, jnp.float32)


_prep = pl.pallas_call(
    _prep_body,
    out_shape=[
        jax.ShapeDtypeStruct((_N, _D), jnp.float32),
        jax.ShapeDtypeStruct((2 * _H, _N), jnp.float32),
        jax.ShapeDtypeStruct((1, 128), jnp.float32),
    ],
)


@functools.partial(
    pl.kernel,
    out_type=[
        jax.ShapeDtypeStruct((_NW, _CH, _H, _K), jnp.float32),
        jax.ShapeDtypeStruct((_NW, _H, _N), jnp.float32),
    ],
    mesh=_mesh,
    compiler_params=_sc_params,
    scratch_types=[
        pltpu.VMEM((2 * _H, _N), jnp.float32),
        pltpu.VMEM((_H, _N), jnp.float32),
        pltpu.VMEM((_K,), jnp.int32),
        pltpu.VMEM((_K,), jnp.int32),
        pltpu.VMEM((_H, _K), jnp.float32),
        pltpu.VMEM((128,), jnp.float32),
    ],
)
def _edge_logits(a2t_hbm, tgt_hbm, nbr_hbm, c_hbm, ex_hbm, dpart_hbm,
                 a2_v, den_v, tgt_v, nbr_v, ex_v, c_v):
    wid = lax.axis_index("s") * _NC + lax.axis_index("c")
    base = wid * _EPW
    pltpu.sync_copy(a2t_hbm, a2_v)
    pltpu.sync_copy(c_hbm.at[0], c_v)
    cvec = c_v[pl.ds(0, 16)]

    def _zero(i, _):
        den_v[i // (_N // 16), pl.ds((i % (_N // 16)) * 16, 16)] = (
            jnp.zeros((16,), jnp.float32))
        return 0
    lax.fori_loop(0, _H * (_N // 16), _zero, 0)

    def _chunk(ci, _):
        off = base + ci * _K
        pltpu.sync_copy(tgt_hbm.at[pl.ds(off, _K)], tgt_v)
        pltpu.sync_copy(nbr_hbm.at[pl.ds(off, _K)], nbr_v)

        def _vec(i, _):
            t = tgt_v[pl.ds(i * 16, 16)]
            nb = nbr_v[pl.ds(i * 16, 16)]
            for hh in range(_H):
                hl = jnp.full((16,), hh, jnp.int32)
                hr = jnp.full((16,), _H + hh, jnp.int32)
                s = plsc.load_gather(a2_v, [hl, t]) + plsc.load_gather(a2_v, [hr, nb])
                e = jnp.where(s > 0, s, _SLOPE * s)
                ex = jnp.exp(e - cvec)
                ex_v[hh, pl.ds(i * 16, 16)] = ex
                plsc.addupdate_scatter(den_v, [hl, t], ex)
            return 0
        lax.fori_loop(0, _K // 16, _vec, 0)
        pltpu.sync_copy(ex_v, ex_hbm.at[wid, ci])
        return 0
    lax.fori_loop(0, _CH, _chunk, 0)
    pltpu.sync_copy(den_v, dpart_hbm.at[wid])


@functools.partial(
    pl.kernel,
    out_type=jax.ShapeDtypeStruct((_NC, _N, _D), jnp.float32),
    mesh=_mesh,
    compiler_params=_sc_params,
    scratch_types=[
        pltpu.VMEM((_K, _D), jnp.float32),
        pltpu.VMEM((_K,), jnp.int32),
        pltpu.VMEM((_K,), jnp.int32),
        pltpu.VMEM((_H, _K), jnp.float32),
        pltpu.VMEM_SHARED((_N, _D), jnp.float32),
        pltpu.SemaphoreType.DMA,
    ],
)
def _aggregate(h_hbm, tgt_hbm, nbr_hbm, ex_hbm, opart_hbm,
               rows_v, tgt_v, nbr_v, ex_v, acc_sp, sem):
    cid = lax.axis_index("c")
    sid = lax.axis_index("s")
    wid = sid * _NC + cid
    base = wid * _EPW

    def _zr(i, _):
        rows_v[i // 8, pl.ds((i % 8) * 16, 16)] = jnp.zeros((16,), jnp.float32)
        return 0
    lax.fori_loop(0, _K * 8, _zr, 0)
    r0 = sid * _RSH
    nrch = jnp.where(sid == _NS - 1, (_N - (_NS - 1) * _RSH) // _RCH,
                     _RSH // _RCH)

    def _zacc(k, _):
        pltpu.sync_copy(rows_v.at[pl.ds(0, _RCH)],
                        acc_sp.at[pl.ds(r0 + k * _RCH, _RCH)])
        return 0
    lax.fori_loop(0, nrch, _zacc, 0)
    plsc.subcore_barrier()

    def _chunk(ci, _):
        off = base + ci * _K
        pltpu.sync_copy(tgt_hbm.at[pl.ds(off, _K)], tgt_v)
        pltpu.sync_copy(nbr_hbm.at[pl.ds(off, _K)], nbr_v)
        pltpu.sync_copy(ex_hbm.at[wid, ci], ex_v)
        pltpu.async_copy(h_hbm.at[nbr_v], rows_v, sem).wait()

        def _edge(e, _):
            ev = jnp.full((16,), 0, jnp.int32) + e
            for hh in range(_H):
                sc = plsc.load_gather(ex_v, [jnp.full((16,), hh, jnp.int32), ev])
                for j2 in range(2):
                    j = hh * 2 + j2
                    rows_v[e, pl.ds(j * 16, 16)] = rows_v[e, pl.ds(j * 16, 16)] * sc
            return 0
        lax.fori_loop(0, _K, _edge, 0)
        pltpu.sync_copy(rows_v, acc_sp.at[tgt_v], add=True)
        return 0
    lax.fori_loop(0, _CH, _chunk, 0)
    plsc.subcore_barrier()

    def _flush(k, _):
        pltpu.sync_copy(acc_sp.at[pl.ds(r0 + k * _RCH, _RCH)],
                        opart_hbm.at[cid, pl.ds(r0 + k * _RCH, _RCH)])
        return 0
    lax.fori_loop(0, nrch, _flush, 0)


def _merge_body(h_ref, op_ref, dp_ref, out_ref):
    o = op_ref[0] + op_ref[1]
    d = jnp.sum(dp_ref[...], axis=0)
    r = jnp.where(d > 0, 1.0 / d, 0.0)
    h = h_ref[...]
    for hh in range(_H):
        sl = slice(hh * _HID, (hh + 1) * _HID)
        out_ref[:, sl] = o[:, sl] * r[hh][:, None] + h[:, sl]


_merge = pl.pallas_call(
    _merge_body,
    out_shape=jax.ShapeDtypeStruct((_N, _D), jnp.float32),
)


def kernel(node_features, edge_index, W, b, attn):
    x = node_features.astype(jnp.float32)
    tgt = edge_index[0].astype(jnp.int32)
    nbr = edge_index[1].astype(jnp.int32)
    wt = W.T
    b2 = b.reshape(1, _D).astype(jnp.float32)
    eye = jnp.eye(_H, dtype=jnp.float32)
    a2w_l = (eye[:, :, None] * attn[0, :, None, :_HID]).reshape(_H, _D)
    a2w_r = (eye[:, :, None] * attn[0, :, None, _HID:]).reshape(_H, _D)
    a2w = jnp.concatenate([a2w_l, a2w_r], axis=0)

    h, a2t, c = _prep(x, wt, b2, a2w)
    ex, dpart = _edge_logits(a2t, tgt, nbr, c)
    opart = _aggregate(h, tgt, nbr, ex)
    return _merge(h, opart, dpart)

# --- scband reference (transcript-rebuilt; emitter-appended) ---
"""Pipeline reference for scband-multi-head-gatlayer-13005160972435 (READ-ONLY COPY).

The authoritative reference and input builder live on the scoring server;
editing this copy changes nothing except your own understanding.
"""

import jax, jax.numpy as jnp
import numpy as np

N_NODES = 10000
N_EDGES = 320000
D_FEAT = 128
NUM_HEADS = 4
HIDDEN = 32
SCALING = 0.2


def setup_inputs(seed: int = 0) -> dict:
    key = jax.random.key(seed)
    k1, k2, k3, k4 = jax.random.split(key, 4)
    node_features = jax.random.normal(k1, (N_NODES, D_FEAT), dtype=jnp.float32)
    edge_index = jax.random.randint(k2, (2, N_EDGES), 0, N_NODES, dtype=jnp.int64)
    # Linear layer params: w: Linear(n_node_features, n_hidden_features*num_heads)
    fan_in = D_FEAT
    bound = 1.0 / np.sqrt(fan_in)
    W = jax.random.uniform(k3, (NUM_HEADS * HIDDEN, D_FEAT), dtype=jnp.float32, minval=-bound, maxval=bound)
    b = jnp.zeros((NUM_HEADS * HIDDEN,), dtype=jnp.float32)
    # attn: Parameter(1, num_heads, 2*hidden), xavier uniform
    gain = 1.0
    a_bound = gain * np.sqrt(6.0 / (NUM_HEADS + 2 * HIDDEN))
    attn = jax.random.uniform(k4, (1, NUM_HEADS, 2 * HIDDEN), dtype=jnp.float32, minval=-a_bound, maxval=a_bound)
    return {"node_features": node_features, "edge_index": edge_index, "W": W, "b": b, "attn": attn}


def reference(node_features, edge_index, W, b, attn):
    N = node_features.shape[0]
    # h = dropout(w(x)).view(-1, heads, hidden); dropout p=0 -> identity
    h = (node_features @ W.T + b).reshape(-1, NUM_HEADS, HIDDEN)
    target_nodes = edge_index[0]
    neighbor_nodes = edge_index[1]
    h_i = h[target_nodes]          # [E, heads, hidden] gather
    h_j = h[neighbor_nodes]        # [E, heads, hidden] gather
    h_concat = jnp.concatenate([h_i, h_j], axis=-1)  # [E, heads, 2*hidden]
    eij = jax.nn.leaky_relu((h_concat * attn).sum(axis=-1), negative_slope=SCALING)  # [E, heads]
    # scatter softmax over target_nodes
    seg_max = jax.ops.segment_max(eij, target_nodes, num_segments=N)  # [N, heads]
    ex = jnp.exp(eij - seg_max[target_nodes])
    denom = jax.ops.segment_sum(ex, target_nodes, num_segments=N)
    attention_score = ex / denom[target_nodes]  # [E, heads]
    message = attention_score[..., None] * h_j  # [E, heads, hidden]
    out = jax.ops.segment_sum(message, target_nodes, num_segments=N)  # [N, heads, hidden]
    # skip connection
    out = out + h
    # concat heads
    out = out.reshape(-1, NUM_HEADS * HIDDEN)
    # apply_act = False -> no ELU
    return out

if __name__ == "__main__":
    import jax
    _d = setup_inputs()
    print(jax.jit(kernel)(*tuple(_d.values())))

</pallas_src>

<mosaic_0001>
#map = affine_map<(d0, d1) -> (0, 0)>
#map1 = affine_map<(d0, d1) -> (0)>
#map2 = affine_map<(d0, d1) -> (0, 0, 0, 0)>
#map3 = affine_map<(d0, d1) -> (0, 0, 0)>
module attributes {stable_mosaic.version = 14 : i64} {
  func.func @_aggregate(%arg0: i32, %arg1: i32, %arg2: memref<10000x128xf32, #tpu.memory_space<hbm>>, %arg3: memref<320000xi32, #tpu.memory_space<hbm>>, %arg4: memref<320000xi32, #tpu.memory_space<hbm>>, %arg5: memref<32x125x4x80xf32, #tpu.memory_space<hbm>>, %arg6: memref<2x10000x128xf32, #tpu.memory_space<hbm>>, %arg7: memref<80x128xf32, #tpu.memory_space<vmem>>, %arg8: memref<80xi32, #tpu.memory_space<vmem>>, %arg9: memref<80xi32, #tpu.memory_space<vmem>>, %arg10: memref<4x80xf32, #tpu.memory_space<vmem>>, %arg11: memref<10000x128xf32, #tpu.memory_space<vmem_shared>>, %arg12: memref<!tpu.dma_semaphore, #tpu.memory_space<semaphore_mem>>) attributes {dimension_semantics = [#tpu.dimension_semantics<core_parallel>, #tpu.dimension_semantics<subcore_parallel>], iteration_bounds = array<i64: 2, 16>, scalar_prefetch = 0 : i64, scratch_operands = 6 : i64, tpu.core_type = #tpu.core_type<sc_vector_subcore>, window_params = [{transform_indices = #map}, {transform_indices = #map1}, {transform_indices = #map1}, {transform_indices = #map2}, {transform_indices = #map3}]} {
    %mul3A = arith.constant 2 : i32
    %mul3A_0 = arith.muli %arg1, %mul3A : i32
    %add3A = arith.addi %mul3A_0, %arg0 : i32
    %mul3A_1 = arith.constant 10000 : i32
    %mul3A_2 = arith.muli %add3A, %mul3A_1 : i32
    %scan3A = arith.constant 0 : i32
    %scan3A_3 = arith.constant 0 : i32
    %scan3A_4 = arith.constant 640 : i32
    %scan3A_5 = arith.addi %scan3A_3, %scan3A_4 : i32
    %scan3A_6 = arith.constant 1 : i32
    %scan3A_7 = scf.for %scan3A_44 = %scan3A_3 to %scan3A_5 step %scan3A_6 iter_args(%scan3A_45 = %scan3A) -> (i32)  : i32 {
      %broadcast_in_dim3A = arith.constant 0.000000e+00 : f32
      %broadcast_in_dim3A_46 = vector.broadcast %broadcast_in_dim3A : f32 to vector<16xf32>
      %jit3A_47 = arith.constant 8 : i32
      %div3A = arith.divsi %scan3A_44, %jit3A_47 : i32
      %sign3A = arith.constant 0 : i32
      %sign3A_48 = arith.cmpi sgt, %scan3A_44, %sign3A : i32
      %sign3A_49 = arith.extui %sign3A_48 : i1 to i32
      %sign3A_50 = arith.constant 0 : i32
      %sign3A_51 = arith.cmpi slt, %scan3A_44, %sign3A_50 : i32
      %sign3A_52 = arith.extui %sign3A_51 : i1 to i32
      %sign3A_53 = arith.subi %sign3A_49, %sign3A_52 : i32
      %sign3A_54 = arith.constant 0 : i32
      %sign3A_55 = arith.cmpi sgt, %jit3A_47, %sign3A_54 : i32
      %sign3A_56 = arith.extui %sign3A_55 : i1 to i32
      %sign3A_57 = arith.constant 0 : i32
      %sign3A_58 = arith.cmpi slt, %jit3A_47, %sign3A_57 : i32
      %sign3A_59 = arith.extui %sign3A_58 : i1 to i32
      %sign3A_60 = arith.subi %sign3A_56, %sign3A_59 : i32
      %ne3A = arith.cmpi ne, %sign3A_53, %sign3A_60 : i32
      %rem3A = arith.remsi %scan3A_44, %jit3A_47 : i32
      %ne3A_61 = arith.constant 0 : i32
      %ne3A_62 = arith.cmpi ne, %rem3A, %ne3A_61 : i32
      %and3A = arith.andi %ne3A, %ne3A_62 : i1
      %sub3A = arith.constant 1 : i32
      %sub3A_63 = arith.subi %div3A, %sub3A : i32
      %select_n3A_64 = arith.select %and3A, %sub3A_63, %div3A : i32
      %jit3A_65 = arith.constant 8 : i32
      %eq3A_66 = arith.constant 0 : i32
      %eq3A_67 = arith.cmpi eq, %jit3A_65, %eq3A_66 : i32
      %jit3A_68 = arith.constant 1 : i32
      %select_n3A_69 = arith.select %eq3A_67, %jit3A_68, %jit3A_65 : i32
      %rem3A_70 = arith.remsi %scan3A_44, %select_n3A_69 : i32
      %ne3A_71 = arith.constant 0 : i32
      %ne3A_72 = arith.cmpi ne, %rem3A_70, %ne3A_71 : i32
      %lt3A = arith.constant 0 : i32
      %lt3A_73 = arith.cmpi slt, %rem3A_70, %lt3A : i32
      %lt3A_74 = arith.constant 0 : i32
      %lt3A_75 = arith.cmpi slt, %select_n3A_69, %lt3A_74 : i32
      %ne3A_76 = arith.xori %lt3A_73, %lt3A_75 : i1
      %and3A_77 = arith.andi %ne3A_76, %ne3A_72 : i1
      %add3A_78 = arith.addi %rem3A_70, %select_n3A_69 : i32
      %select_n3A_79 = arith.select %and3A_77, %add3A_78, %rem3A_70 : i32
      %mul3A_80 = arith.constant 16 : i32
      %mul3A_81 = arith.muli %select_n3A_79, %mul3A_80 : i32
      %swap3A = arith.index_cast %select_n3A_64 : i32 to index
      %swap3A_82 = arith.index_cast %mul3A_81 : i32 to index
      %swap3A_83 = tpu.vector_load %arg7[%swap3A, %swap3A_82] {strides = array<i32>} : memref<80x128xf32, #tpu.memory_space<vmem>>, vector<16xf32>,
      tpu.vector_store %arg7[%swap3A, %swap3A_82], %broadcast_in_dim3A_46 {strides = array<i32>} : memref<80x128xf32, #tpu.memory_space<vmem>>, vector<16xf32>,
      %scan3A_84 = arith.constant 0 : i32
      scf.yield %scan3A_84 : i32
    }
    %scan3A_8 = arith.constant 640 : i32
    %mul3A_9 = arith.constant 640 : i32
    %mul3A_10 = arith.muli %arg1, %mul3A_9 : i32
    %eq3A = arith.constant 15 : i32
    %eq3A_11 = arith.cmpi eq, %arg1, %eq3A : i32
    %jit3A = arith.constant 5 : i32
    %jit3A_12 = arith.constant 8 : i32
    %select_n3A = arith.select %eq3A_11, %jit3A, %jit3A_12 : i32
    %while3A = arith.constant 0 : i32
    %while3A_13 = arith.constant 0 : i32
    %while3A_14 = arith.subi %select_n3A, %while3A : i32
    %while3A_15 = arith.addi %while3A, %while3A_14 : i32
    %while3A_16 = arith.constant 1 : i32
    %while3A_17 = arith.divsi %while3A_14, %while3A_16 : i32
    %while3A_18 = arith.muli %while3A_17, %while3A_16 : i32
    %while3A_19 = arith.addi %while3A, %while3A_18 : i32
    %while3A_20 = arith.constant 1 : i32
    %while3A_21 = scf.for %while3A_44 = %while3A to %while3A_19 step %while3A_20 iter_args(%while3A_45 = %while3A_13) -> (i32)  : i32 {
      %mul3A_46 = arith.constant 80 : i32
      %mul3A_47 = arith.muli %while3A_44, %mul3A_46 : i32
      %add3A_48 = arith.addi %mul3A_10, %mul3A_47 : i32
      "tpu.region"() ({
        %run_scoped3A = tpu.sem_alloc : memref<!tpu.dma_semaphore, #tpu.memory_space<semaphore_mem>>
        %dma_start3A = arith.constant 0 : i32
        %dma_start3A_50 = arith.constant 0 : i32
        %dma_start3A_51 = tpu.memref_slice %arg7[%dma_start3A, %dma_start3A_50] : memref<80x128xf32, #tpu.memory_space<vmem>> -> memref<80x128xf32, #tpu.memory_space<vmem>>
        %dma_start3A_52 = arith.constant 0 : i32
        %dma_start3A_53 = tpu.memref_slice %arg11[%add3A_48, %dma_start3A_52] : memref<10000x128xf32, #tpu.memory_space<vmem_shared>> -> memref<80x128xf32, #tpu.memory_space<vmem_shared>>
        %dma_start3A_54 = arith.constant 0 : i32
        %dma_start3A_55 = tpu.memref_slice %arg11[%add3A_48, %dma_start3A_54] : memref<10000x128xf32, #tpu.memory_space<vmem_shared>> -> memref<80x128xf32, #tpu.memory_space<vmem_shared>>
        %dma_start3A_56 = arith.constant 0 : i32
        %dma_start3A_57 = arith.constant 0 : i32
        %dma_start3A_58 = tpu.memref_slice %arg7[%dma_start3A_56, %dma_start3A_57] : memref<80x128xf32, #tpu.memory_space<vmem>> -> memref<80x128xf32, #tpu.memory_space<vmem>>
        tpu.enqueue_dma source(%dma_start3A_58 : memref<80x128xf32, #tpu.memory_space<vmem>>) target(%dma_start3A_55 : memref<80x128xf32, #tpu.memory_space<vmem_shared>>) target_semaphore(%run_scoped3A : memref<!tpu.dma_semaphore, #tpu.memory_space<semaphore_mem>>)
        %dma_wait3A = arith.constant 0 : i32
        %dma_wait3A_59 = arith.constant 0 : i32
        %dma_wait3A_60 = tpu.memref_slice %arg7[%dma_wait3A, %dma_wait3A_59] : memref<80x128xf32, #tpu.memory_space<vmem>> -> memref<80x128xf32, #tpu.memory_space<vmem>>
        %dma_wait3A_61 = arith.constant 0 : i32
        %dma_wait3A_62 = tpu.memref_slice %arg11[%add3A_48, %dma_wait3A_61] : memref<10000x128xf32, #tpu.memory_space<vmem_shared>> -> memref<80x128xf32, #tpu.memory_space<vmem_shared>>
        %dma_wait3A_63 = arith.constant 0 : i32
        %dma_wait3A_64 = tpu.memref_slice %arg11[%add3A_48, %dma_wait3A_63] : memref<10000x128xf32, #tpu.memory_space<vmem_shared>> -> memref<80x128xf32, #tpu.memory_space<vmem_shared>>
        %dma_wait3A_65 = arith.constant 0 : i32
        %dma_wait3A_66 = arith.constant 0 : i32
        %dma_wait3A_67 = tpu.memref_slice %arg7[%dma_wait3A_65, %dma_wait3A_66] : memref<80x128xf32, #tpu.memory_space<vmem>> -> memref<80x128xf32, #tpu.memory_space<vmem>>
        tpu.wait_dma2 semaphore(%run_scoped3A : memref<!tpu.dma_semaphore, #tpu.memory_space<semaphore_mem>>) src(%dma_wait3A_67 : memref<80x128xf32, #tpu.memory_space<vmem>>) dst(%dma_wait3A_64 : memref<80x128xf32, #tpu.memory_space<vmem_shared>>)
        tpu.yield
      }) : () -> ()
      %while3A_49 = arith.constant 0 : i32
      scf.yield %while3A_49 : i32
    }
    %while3A_22 = arith.constant 1 : i32
    %while3A_23 = scf.for %while3A_44 = %while3A_19 to %while3A_15 step %while3A_22 iter_args(%while3A_45 = %while3A_21) -> (i32)  : i32 {
      %mul3A_46 = arith.constant 80 : i32
      %mul3A_47 = arith.muli %while3A_44, %mul3A_46 : i32
      %add3A_48 = arith.addi %mul3A_10, %mul3A_47 : i32
      "tpu.region"() ({
        %run_scoped3A = tpu.sem_alloc : memref<!tpu.dma_semaphore, #tpu.memory_space<semaphore_mem>>
        %dma_start3A = arith.constant 0 : i32
        %dma_start3A_50 = arith.constant 0 : i32
        %dma_start3A_51 = tpu.memref_slice %arg7[%dma_start3A, %dma_start3A_50] : memref<80x128xf32, #tpu.memory_space<vmem>> -> memref<80x128xf32, #tpu.memory_space<vmem>>
        %dma_start3A_52 = arith.constant 0 : i32
        %dma_start3A_53 = tpu.memref_slice %arg11[%add3A_48, %dma_start3A_52] : memref<10000x128xf32, #tpu.memory_space<vmem_shared>> -> memref<80x128xf32, #tpu.memory_space<vmem_shared>>
        %dma_start3A_54 = arith.constant 0 : i32
        %dma_start3A_55 = tpu.memref_slice %arg11[%add3A_48, %dma_start3A_54] : memref<10000x128xf32, #tpu.memory_space<vmem_shared>> -> memref<80x128xf32, #tpu.memory_space<vmem_shared>>
        %dma_start3A_56 = arith.constant 0 : i32
        %dma_start3A_57 = arith.constant 0 : i32
        %dma_start3A_58 = tpu.memref_slice %arg7[%dma_start3A_56, %dma_start3A_57] : memref<80x128xf32, #tpu.memory_space<vmem>> -> memref<80x128xf32, #tpu.memory_space<vmem>>
        tpu.enqueue_dma source(%dma_start3A_58 : memref<80x128xf32, #tpu.memory_space<vmem>>) target(%dma_start3A_55 : memref<80x128xf32, #tpu.memory_space<vmem_shared>>) target_semaphore(%run_scoped3A : memref<!tpu.dma_semaphore, #tpu.memory_space<semaphore_mem>>)
        %dma_wait3A = arith.constant 0 : i32
        %dma_wait3A_59 = arith.constant 0 : i32
        %dma_wait3A_60 = tpu.memref_slice %arg7[%dma_wait3A, %dma_wait3A_59] : memref<80x128xf32, #tpu.memory_space<vmem>> -> memref<80x128xf32, #tpu.memory_space<vmem>>
        %dma_wait3A_61 = arith.constant 0 : i32
        %dma_wait3A_62 = tpu.memref_slice %arg11[%add3A_48, %dma_wait3A_61] : memref<10000x128xf32, #tpu.memory_space<vmem_shared>> -> memref<80x128xf32, #tpu.memory_space<vmem_shared>>
        %dma_wait3A_63 = arith.constant 0 : i32
        %dma_wait3A_64 = tpu.memref_slice %arg11[%add3A_48, %dma_wait3A_63] : memref<10000x128xf32, #tpu.memory_space<vmem_shared>> -> memref<80x128xf32, #tpu.memory_space<vmem_shared>>
        %dma_wait3A_65 = arith.constant 0 : i32
        %dma_wait3A_66 = arith.constant 0 : i32
        %dma_wait3A_67 = tpu.memref_slice %arg7[%dma_wait3A_65, %dma_wait3A_66] : memref<80x128xf32, #tpu.memory_space<vmem>> -> memref<80x128xf32, #tpu.memory_space<vmem>>
        tpu.wait_dma2 semaphore(%run_scoped3A : memref<!tpu.dma_semaphore, #tpu.memory_space<semaphore_mem>>) src(%dma_wait3A_67 : memref<80x128xf32, #tpu.memory_space<vmem>>) dst(%dma_wait3A_64 : memref<80x128xf32, #tpu.memory_space<vmem_shared>>)
        tpu.yield
      }) : () -> ()
      %while3A_49 = arith.constant 0 : i32
      scf.yield %while3A_49 : i32
    }
    %barrier3A = arith.constant 0 : index
    tpu.barrier barrier_id(%barrier3A)
    %scan3A_24 = arith.constant 0 : i32
    %scan3A_25 = arith.constant 0 : i32
    %scan3A_26 = arith.constant 125 : i32
    %scan3A_27 = arith.addi %scan3A_25, %scan3A_26 : i32
    %scan3A_28 = arith.constant 1 : i32
    %scan3A_29 = scf.for %scan3A_44 = %scan3A_25 to %scan3A_27 step %scan3A_28 iter_args(%scan3A_45 = %scan3A_24) -> (i32)  : i32 {
      %mul3A_46 = arith.constant 80 : i32
      %mul3A_47 = arith.muli %scan3A_44, %mul3A_46 : i32
      %add3A_48 = arith.addi %mul3A_2, %mul3A_47 : i32
      "tpu.region"() ({
        %run_scoped3A = tpu.sem_alloc : memref<!tpu.dma_semaphore, #tpu.memory_space<semaphore_mem>>
        %dma_start3A_61 = tpu.memref_slice %arg3[%add3A_48] : memref<320000xi32, #tpu.memory_space<hbm>> -> memref<80xi32, #tpu.memory_space<hbm>>
        %dma_start3A_62 = tpu.memref_slice %arg3[%add3A_48] : memref<320000xi32, #tpu.memory_space<hbm>> -> memref<80xi32, #tpu.memory_space<hbm>>
        tpu.enqueue_dma source(%dma_start3A_62 : memref<80xi32, #tpu.memory_space<hbm>>) target(%arg8 : memref<80xi32, #tpu.memory_space<vmem>>) target_semaphore(%run_scoped3A : memref<!tpu.dma_semaphore, #tpu.memory_space<semaphore_mem>>)
        %dma_wait3A_63 = tpu.memref_slice %arg3[%add3A_48] : memref<320000xi32, #tpu.memory_space<hbm>> -> memref<80xi32, #tpu.memory_space<hbm>>
        %dma_wait3A_64 = tpu.memref_slice %arg3[%add3A_48] : memref<320000xi32, #tpu.memory_space<hbm>> -> memref<80xi32, #tpu.memory_space<hbm>>
        tpu.wait_dma2 semaphore(%run_scoped3A : memref<!tpu.dma_semaphore, #tpu.memory_space<semaphore_mem>>) src(%dma_wait3A_64 : memref<80xi32, #tpu.memory_space<hbm>>) dst(%arg8 : memref<80xi32, #tpu.memory_space<vmem>>)
        tpu.yield
      }) : () -> ()
      "tpu.region"() ({
        %run_scoped3A = tpu.sem_alloc : memref<!tpu.dma_semaphore, #tpu.memory_space<semaphore_mem>>
        %dma_start3A_61 = tpu.memref_slice %arg4[%add3A_48] : memref<320000xi32, #tpu.memory_space<hbm>> -> memref<80xi32, #tpu.memory_space<hbm>>
        %dma_start3A_62 = tpu.memref_slice %arg4[%add3A_48] : memref<320000xi32, #tpu.memory_space<hbm>> -> memref<80xi32, #tpu.memory_space<hbm>>
        tpu.enqueue_dma source(%dma_start3A_62 : memref<80xi32, #tpu.memory_space<hbm>>) target(%arg9 : memref<80xi32, #tpu.memory_space<vmem>>) target_semaphore(%run_scoped3A : memref<!tpu.dma_semaphore, #tpu.memory_space<semaphore_mem>>)
        %dma_wait3A_63 = tpu.memref_slice %arg4[%add3A_48] : memref<320000xi32, #tpu.memory_space<hbm>> -> memref<80xi32, #tpu.memory_space<hbm>>
        %dma_wait3A_64 = tpu.memref_slice %arg4[%add3A_48] : memref<320000xi32, #tpu.memory_space<hbm>> -> memref<80xi32, #tpu.memory_space<hbm>>
        tpu.wait_dma2 semaphore(%run_scoped3A : memref<!tpu.dma_semaphore, #tpu.memory_space<semaphore_mem>>) src(%dma_wait3A_64 : memref<80xi32, #tpu.memory_space<hbm>>) dst(%arg9 : memref<80xi32, #tpu.memory_space<vmem>>)
        tpu.yield
      }) : () -> ()
      "tpu.region"() ({
        %run_scoped3A = tpu.sem_alloc : memref<!tpu.dma_semaphore, #tpu.memory_space<semaphore_mem>>
        %dma_start3A_61 = arith.constant 0 : i32
        %dma_start3A_62 = arith.constant 0 : i32
        %dma_start3A_63 = tpu.memref_slice %arg5[%add3A, %scan3A_44, %dma_start3A_61, %dma_start3A_62] : memref<32x125x4x80xf32, #tpu.memory_space<hbm>> -> memref<1x1x4x80xf32, #tpu.memory_space<hbm>>
        %dma_start3A_64 = tpu.memref_squeeze %dma_start3A_63 : memref<1x1x4x80xf32, #tpu.memory_space<hbm>> -> memref<4x80xf32, #tpu.memory_space<hbm>>
        %dma_start3A_65 = arith.constant 0 : i32
        %dma_start3A_66 = arith.constant 0 : i32
        %dma_start3A_67 = tpu.memref_slice %arg5[%add3A, %scan3A_44, %dma_start3A_65, %dma_start3A_66] : memref<32x125x4x80xf32, #tpu.memory_space<hbm>> -> memref<1x1x4x80xf32, #tpu.memory_space<hbm>>
        %dma_start3A_68 = tpu.memref_squeeze %dma_start3A_67 : memref<1x1x4x80xf32, #tpu.memory_space<hbm>> -> memref<4x80xf32, #tpu.memory_space<hbm>>
        tpu.enqueue_dma source(%dma_start3A_68 : memref<4x80xf32, #tpu.memory_space<hbm>>) target(%arg10 : memref<4x80xf32, #tpu.memory_space<vmem>>) target_semaphore(%run_scoped3A : memref<!tpu.dma_semaphore, #tpu.memory_space<semaphore_mem>>)
        %dma_wait3A_69 = arith.constant 0 : i32
        %dma_wait3A_70 = arith.constant 0 : i32
        %dma_wait3A_71 = tpu.memref_slice %arg5[%add3A, %scan3A_44, %dma_wait3A_69, %dma_wait3A_70] : memref<32x125x4x80xf32, #tpu.memory_space<hbm>> -> memref<1x1x4x80xf32, #tpu.memory_space<hbm>>
        %dma_wait3A_72 = tpu.memref_squeeze %dma_wait3A_71 : memref<1x1x4x80xf32, #tpu.memory_space<hbm>> -> memref<4x80xf32, #tpu.memory_space<hbm>>
        %dma_wait3A_73 = arith.constant 0 : i32
        %dma_wait3A_74 = arith.constant 0 : i32
        %dma_wait3A_75 = tpu.memref_slice %arg5[%add3A, %scan3A_44, %dma_wait3A_73, %dma_wait3A_74] : memref<32x125x4x80xf32, #tpu.memory_space<hbm>> -> memref<1x1x4x80xf32, #tpu.memory_space<hbm>>
        %dma_wait3A_76 = tpu.memref_squeeze %dma_wait3A_75 : memref<1x1x4x80xf32, #tpu.memory_space<hbm>> -> memref<4x80xf32, #tpu.memory_space<hbm>>
        tpu.wait_dma2 semaphore(%run_scoped3A : memref<!tpu.dma_semaphore, #tpu.memory_space<semaphore_mem>>) src(%dma_wait3A_76 : memref<4x80xf32, #tpu.memory_space<hbm>>) dst(%arg10 : memref<4x80xf32, #tpu.memory_space<vmem>>)
        tpu.yield
      }) : () -> ()
      %dma_start3A = arith.constant 0 : i32
      %dma_start3A_49 = arith.constant 0 : i32
      %dma_start3A_50 = tpu.memref_slice %arg2[%dma_start3A, %dma_start3A_49] : memref<10000x128xf32, #tpu.memory_space<hbm>> -> memref<10000x128xf32, #tpu.memory_space<hbm>>
      tpu.enqueue_indirect_dma source(%dma_start3A_50 : memref<10000x128xf32, #tpu.memory_space<hbm>>) target(%arg7 : memref<80x128xf32, #tpu.memory_space<vmem>>) offsets(%arg9 : memref<80xi32, #tpu.memory_space<vmem>>) semaphore(%arg12 : memref<!tpu.dma_semaphore, #tpu.memory_space<semaphore_mem>>)
      %dma_wait3A = arith.constant 0 : i32
      %dma_wait3A_51 = arith.constant 0 : i32
      %dma_wait3A_52 = tpu.memref_slice %arg2[%dma_wait3A, %dma_wait3A_51] : memref<10000x128xf32, #tpu.memory_space<hbm>> -> memref<10000x128xf32, #tpu.memory_space<hbm>>
      tpu.wait_indirect_dma semaphore(%arg12 : memref<!tpu.dma_semaphore, #tpu.memory_space<semaphore_mem>>) src(%dma_wait3A_52 : memref<10000x128xf32, #tpu.memory_space<hbm>>) dst(%arg7 : memref<80x128xf32, #tpu.memory_space<vmem>>)
      %scan3A_53 = arith.constant 0 : i32
      %scan3A_54 = arith.constant 0 : i32
      %scan3A_55 = arith.constant 80 : i32
      %scan3A_56 = arith.addi %scan3A_54, %scan3A_55 : i32
      %scan3A_57 = arith.constant 1 : i32
      %scan3A_58 = scf.for %scan3A_61 = %scan3A_54 to %scan3A_56 step %scan3A_57 iter_args(%scan3A_62 = %scan3A_53) -> (i32)  : i32 {
        %broadcast_in_dim3A = arith.constant 0 : i32
        %broadcast_in_dim3A_63 = vector.broadcast %broadcast_in_dim3A : i32 to vector<16xi32>
        %add3A_64 = vector.broadcast %scan3A_61 : i32 to vector<16xi32>
        %add3A_65 = arith.addi %broadcast_in_dim3A_63, %add3A_64 : vector<16xi32>
        %broadcast_in_dim3A_66 = arith.constant 0 : i32
        %broadcast_in_dim3A_67 = vector.broadcast %broadcast_in_dim3A_66 : i32 to vector<16xi32>
        %gather3A = tpu.vector_load_idx %arg10[%broadcast_in_dim3A_67, %add3A_65] : memref<4x80xf32, #tpu.memory_space<vmem>>[vector<16xi32>, vector<16xi32>], vector<16xf32>,
        %get3A = arith.index_cast %scan3A_61 : i32 to index
        %get3A_68 = arith.constant 0 : index
        %get3A_69 = tpu.vector_load %arg7[%get3A, %get3A_68] {strides = array<i32>} : memref<80x128xf32, #tpu.memory_space<vmem>>, vector<16xf32>,
        %mul3A_70 = arith.mulf %get3A_69, %gather3A : vector<16xf32>
        %swap3A = arith.index_cast %scan3A_61 : i32 to index
        %swap3A_71 = arith.constant 0 : index
        %swap3A_72 = tpu.vector_load %arg7[%swap3A, %swap3A_71] {strides = array<i32>} : memref<80x128xf32, #tpu.memory_space<vmem>>, vector<16xf32>,
        tpu.vector_store %arg7[%swap3A, %swap3A_71], %mul3A_70 {strides = array<i32>} : memref<80x128xf32, #tpu.memory_space<vmem>>, vector<16xf32>,
        %get3A_73 = arith.index_cast %scan3A_61 : i32 to index
        %get3A_74 = arith.constant 16 : index
        %get3A_75 = tpu.vector_load %arg7[%get3A_73, %get3A_74] {strides = array<i32>} : memref<80x128xf32, #tpu.memory_space<vmem>>, vector<16xf32>,
        %mul3A_76 = arith.mulf %get3A_75, %gather3A : vector<16xf32>
        %swap3A_77 = arith.index_cast %scan3A_61 : i32 to index
        %swap3A_78 = arith.constant 16 : index
        %swap3A_79 = tpu.vector_load %arg7[%swap3A_77, %swap3A_78] {strides = array<i32>} : memref<80x128xf32, #tpu.memory_space<vmem>>, vector<16xf32>,
        tpu.vector_store %arg7[%swap3A_77, %swap3A_78], %mul3A_76 {strides = array<i32>} : memref<80x128xf32, #tpu.memory_space<vmem>>, vector<16xf32>,
        %broadcast_in_dim3A_80 = arith.constant 1 : i32
        %broadcast_in_dim3A_81 = vector.broadcast %broadcast_in_dim3A_80 : i32 to vector<16xi32>
        %gather3A_82 = tpu.vector_load_idx %arg10[%broadcast_in_dim3A_81, %add3A_65] : memref<4x80xf32, #tpu.memory_space<vmem>>[vector<16xi32>, vector<16xi32>], vector<16xf32>,
        %get3A_83 = arith.index_cast %scan3A_61 : i32 to index
        %get3A_84 = arith.constant 32 : index
        %get3A_85 = tpu.vector_load %arg7[%get3A_83, %get3A_84] {strides = array<i32>} : memref<80x128xf32, #tpu.memory_space<vmem>>, vector<16xf32>,
        %mul3A_86 = arith.mulf %get3A_85, %gather3A_82 : vector<16xf32>
        %swap3A_87 = arith.index_cast %scan3A_61 : i32 to index
        %swap3A_88 = arith.constant 32 : index
        %swap3A_89 = tpu.vector_load %arg7[%swap3A_87, %swap3A_88] {strides = array<i32>} : memref<80x128xf32, #tpu.memory_space<vmem>>, vector<16xf32>,
        tpu.vector_store %arg7[%swap3A_87, %swap3A_88], %mul3A_86 {strides = array<i32>} : memref<80x128xf32, #tpu.memory_space<vmem>>, vector<16xf32>,
        %get3A_90 = arith.index_cast %scan3A_61 : i32 to index
        %get3A_91 = arith.constant 48 : index
        %get3A_92 = tpu.vector_load %arg7[%get3A_90, %get3A_91] {strides = array<i32>} : memref<80x128xf32, #tpu.memory_space<vmem>>, vector<16xf32>,
        %mul3A_93 = arith.mulf %get3A_92, %gather3A_82 : vector<16xf32>
        %swap3A_94 = arith.index_cast %scan3A_61 : i32 to index
        %swap3A_95 = arith.constant 48 : index
        %swap3A_96 = tpu.vector_load %arg7[%swap3A_94, %swap3A_95] {strides = array<i32>} : memref<80x128xf32, #tpu.memory_space<vmem>>, vector<16xf32>,
        tpu.vector_store %arg7[%swap3A_94, %swap3A_95], %mul3A_93 {strides = array<i32>} : memref<80x128xf32, #tpu.memory_space<vmem>>, vector<16xf32>,
        %broadcast_in_dim3A_97 = arith.constant 2 : i32
        %broadcast_in_dim3A_98 = vector.broadcast %broadcast_in_dim3A_97 : i32 to vector<16xi32>
        %gather3A_99 = tpu.vector_load_idx %arg10[%broadcast_in_dim3A_98, %add3A_65] : memref<4x80xf32, #tpu.memory_space<vmem>>[vector<16xi32>, vector<16xi32>], vector<16xf32>,
        %get3A_100 = arith.index_cast %scan3A_61 : i32 to index
        %get3A_101 = arith.constant 64 : index
        %get3A_102 = tpu.vector_load %arg7[%get3A_100, %get3A_101] {strides = array<i32>} : memref<80x128xf32, #tpu.memory_space<vmem>>, vector<16xf32>,
        %mul3A_103 = arith.mulf %get3A_102, %gather3A_99 : vector<16xf32>
        %swap3A_104 = arith.index_cast %scan3A_61 : i32 to index
        %swap3A_105 = arith.constant 64 : index
        %swap3A_106 = tpu.vector_load %arg7[%swap3A_104, %swap3A_105] {strides = array<i32>} : memref<80x128xf32, #tpu.memory_space<vmem>>, vector<16xf32>,
        tpu.vector_store %arg7[%swap3A_104, %swap3A_105], %mul3A_103 {strides = array<i32>} : memref<80x128xf32, #tpu.memory_space<vmem>>, vector<16xf32>,
        %get3A_107 = arith.index_cast %scan3A_61 : i32 to index
        %get3A_108 = arith.constant 80 : index
        %get3A_109 = tpu.vector_load %arg7[%get3A_107, %get3A_108] {strides = array<i32>} : memref<80x128xf32, #tpu.memory_space<vmem>>, vector<16xf32>,
        %mul3A_110 = arith.mulf %get3A_109, %gather3A_99 : vector<16xf32>
        %swap3A_111 = arith.index_cast %scan3A_61 : i32 to index
        %swap3A_112 = arith.constant 80 : index
        %swap3A_113 = tpu.vector_load %arg7[%swap3A_111, %swap3A_112] {strides = array<i32>} : memref<80x128xf32, #tpu.memory_space<vmem>>, vector<16xf32>,
        tpu.vector_store %arg7[%swap3A_111, %swap3A_112], %mul3A_110 {strides = array<i32>} : memref<80x128xf32, #tpu.memory_space<vmem>>, vector<16xf32>,
        %broadcast_in_dim3A_114 = arith.constant 3 : i32
        %broadcast_in_dim3A_115 = vector.broadcast %broadcast_in_dim3A_114 : i32 to vector<16xi32>
        %gather3A_116 = tpu.vector_load_idx %arg10[%broadcast_in_dim3A_115, %add3A_65] : memref<4x80xf32, #tpu.memory_space<vmem>>[vector<16xi32>, vector<16xi32>], vector<16xf32>,
        %get3A_117 = arith.index_cast %scan3A_61 : i32 to index
        %get3A_118 = arith.constant 96 : index
        %get3A_119 = tpu.vector_load %arg7[%get3A_117, %get3A_118] {strides = array<i32>} : memref<80x128xf32, #tpu.memory_space<vmem>>, vector<16xf32>,
        %mul3A_120 = arith.mulf %get3A_119, %gather3A_116 : vector<16xf32>
        %swap3A_121 = arith.index_cast %scan3A_61 : i32 to index
        %swap3A_122 = arith.constant 96 : index
        %swap3A_123 = tpu.vector_load %arg7[%swap3A_121, %swap3A_122] {strides = array<i32>} : memref<80x128xf32, #tpu.memory_space<vmem>>, vector<16xf32>,
        tpu.vector_store %arg7[%swap3A_121, %swap3A_122], %mul3A_120 {strides = array<i32>} : memref<80x128xf32, #tpu.memory_space<vmem>>, vector<16xf32>,
        %get3A_124 = arith.index_cast %scan3A_61 : i32 to index
        %get3A_125 = arith.constant 112 : index
        %get3A_126 = tpu.vector_load %arg7[%get3A_124, %get3A_125] {strides = array<i32>} : memref<80x128xf32, #tpu.memory_space<vmem>>, vector<16xf32>,
        %mul3A_127 = arith.mulf %get3A_126, %gather3A_116 : vector<16xf32>
        %swap3A_128 = arith.index_cast %scan3A_61 : i32 to index
        %swap3A_129 = arith.constant 112 : index
        %swap3A_130 = tpu.vector_load %arg7[%swap3A_128, %swap3A_129] {strides = array<i32>} : memref<80x128xf32, #tpu.memory_space<vmem>>, vector<16xf32>,
        tpu.vector_store %arg7[%swap3A_128, %swap3A_129], %mul3A_127 {strides = array<i32>} : memref<80x128xf32, #tpu.memory_space<vmem>>, vector<16xf32>,
        %scan3A_131 = arith.constant 0 : i32
        scf.yield %scan3A_131 : i32
      }
      %scan3A_59 = arith.constant 80 : i32
      "tpu.region"() ({
        %run_scoped3A = tpu.sem_alloc : memref<!tpu.dma_semaphore, #tpu.memory_space<semaphore_mem>>
        %dma_start3A_61 = arith.constant 0 : i32
        %dma_start3A_62 = arith.constant 0 : i32
        %dma_start3A_63 = tpu.memref_slice %arg11[%dma_start3A_61, %dma_start3A_62] : memref<10000x128xf32, #tpu.memory_space<vmem_shared>> -> memref<10000x128xf32, #tpu.memory_space<vmem_shared>>
        tpu.enqueue_indirect_dma source(%arg7 : memref<80x128xf32, #tpu.memory_space<vmem>>) target(%dma_start3A_63 : memref<10000x128xf32, #tpu.memory_space<vmem_shared>>) offsets(%arg8 : memref<80xi32, #tpu.memory_space<vmem>>) semaphore(%run_scoped3A : memref<!tpu.dma_semaphore, #tpu.memory_space<semaphore_mem>>) {add = true}
        %dma_wait3A_64 = arith.constant 0 : i32
        %dma_wait3A_65 = arith.constant 0 : i32
        %dma_wait3A_66 = tpu.memref_slice %arg11[%dma_wait3A_64, %dma_wait3A_65] : memref<10000x128xf32, #tpu.memory_space<vmem_shared>> -> memref<10000x128xf32, #tpu.memory_space<vmem_shared>>
        tpu.wait_indirect_dma semaphore(%run_scoped3A : memref<!tpu.dma_semaphore, #tpu.memory_space<semaphore_mem>>) src(%arg7 : memref<80x128xf32, #tpu.memory_space<vmem>>) dst(%dma_wait3A_66 : memref<10000x128xf32, #tpu.memory_space<vmem_shared>>)
        tpu.yield
      }) : () -> ()
      %scan3A_60 = arith.constant 0 : i32
      scf.yield %scan3A_60 : i32
    }
    %scan3A_30 = arith.constant 125 : i32
    %barrier3A_31 = arith.constant 0 : index
    tpu.barrier barrier_id(%barrier3A_31)
    %while3A_32 = arith.constant 0 : i32
    %while3A_33 = arith.constant 0 : i32
    %while3A_34 = arith.subi %select_n3A, %while3A_32 : i32
    %while3A_35 = arith.addi %while3A_32, %while3A_34 : i32
    %while3A_36 = arith.constant 1 : i32
    %while3A_37 = arith.divsi %while3A_34, %while3A_36 : i32
    %while3A_38 = arith.muli %while3A_37, %while3A_36 : i32
    %while3A_39 = arith.addi %while3A_32, %while3A_38 : i32
    %while3A_40 = arith.constant 1 : i32
    %while3A_41 = scf.for %while3A_44 = %while3A_32 to %while3A_39 step %while3A_40 iter_args(%while3A_45 = %while3A_33) -> (i32)  : i32 {
      %mul3A_46 = arith.constant 80 : i32
      %mul3A_47 = arith.muli %while3A_44, %mul3A_46 : i32
      %add3A_48 = arith.addi %mul3A_10, %mul3A_47 : i32
      %mul3A_49 = arith.constant 80 : i32
      %mul3A_50 = arith.muli %while3A_44, %mul3A_49 : i32
      %add3A_51 = arith.addi %mul3A_10, %mul3A_50 : i32
      "tpu.region"() ({
        %run_scoped3A = tpu.sem_alloc : memref<!tpu.dma_semaphore, #tpu.memory_space<semaphore_mem>>
        %dma_start3A = arith.constant 0 : i32
        %dma_start3A_53 = tpu.memref_slice %arg6[%arg0, %add3A_51, %dma_start3A] : memref<2x10000x128xf32, #tpu.memory_space<hbm>> -> memref<1x80x128xf32, #tpu.memory_space<hbm>>
        %dma_start3A_54 = tpu.memref_squeeze %dma_start3A_53 : memref<1x80x128xf32, #tpu.memory_space<hbm>> -> memref<80x128xf32, #tpu.memory_space<hbm>>
        %dma_start3A_55 = arith.constant 0 : i32
        %dma_start3A_56 = tpu.memref_slice %arg11[%add3A_48, %dma_start3A_55] : memref<10000x128xf32, #tpu.memory_space<vmem_shared>> -> memref<80x128xf32, #tpu.memory_space<vmem_shared>>
        tpu.enqueue_dma source(%dma_start3A_56 : memref<80x128xf32, #tpu.memory_space<vmem_shared>>) target(%dma_start3A_54 : memref<80x128xf32, #tpu.memory_space<hbm>>) target_semaphore(%run_scoped3A : memref<!tpu.dma_semaphore, #tpu.memory_space<semaphore_mem>>)
        %dma_wait3A = arith.constant 0 : i32
        %dma_wait3A_57 = tpu.memref_slice %arg6[%arg0, %add3A_51, %dma_wait3A] : memref<2x10000x128xf32, #tpu.memory_space<hbm>> -> memref<1x80x128xf32, #tpu.memory_space<hbm>>
        %dma_wait3A_58 = tpu.memref_squeeze %dma_wait3A_57 : memref<1x80x128xf32, #tpu.memory_space<hbm>> -> memref<80x128xf32, #tpu.memory_space<hbm>>
        %dma_wait3A_59 = arith.constant 0 : i32
        %dma_wait3A_60 = tpu.memref_slice %arg11[%add3A_48, %dma_wait3A_59] : memref<10000x128xf32, #tpu.memory_space<vmem_shared>> -> memref<80x128xf32, #tpu.memory_space<vmem_shared>>
        tpu.wait_dma2 semaphore(%run_scoped3A : memref<!tpu.dma_semaphore, #tpu.memory_space<semaphore_mem>>) src(%dma_wait3A_60 : memref<80x128xf32, #tpu.memory_space<vmem_shared>>) dst(%dma_wait3A_58 : memref<80x128xf32, #tpu.memory_space<hbm>>)
        tpu.yield
      }) : () -> ()
      %while3A_52 = arith.constant 0 : i32
      scf.yield %while3A_52 : i32
    }
    %while3A_42 = arith.constant 1 : i32
    %while3A_43 = scf.for %while3A_44 = %while3A_39 to %while3A_35 step %while3A_42 iter_args(%while3A_45 = %while3A_41) -> (i32)  : i32 {
      %mul3A_46 = arith.constant 80 : i32
      %mul3A_47 = arith.muli %while3A_44, %mul3A_46 : i32
      %add3A_48 = arith.addi %mul3A_10, %mul3A_47 : i32
      %mul3A_49 = arith.constant 80 : i32
      %mul3A_50 = arith.muli %while3A_44, %mul3A_49 : i32
      %add3A_51 = arith.addi %mul3A_10, %mul3A_50 : i32
      "tpu.region"() ({
        %run_scoped3A = tpu.sem_alloc : memref<!tpu.dma_semaphore, #tpu.memory_space<semaphore_mem>>
        %dma_start3A = arith.constant 0 : i32
        %dma_start3A_53 = tpu.memref_slice %arg6[%arg0, %add3A_51, %dma_start3A] : memref<2x10000x128xf32, #tpu.memory_space<hbm>> -> memref<1x80x128xf32, #tpu.memory_space<hbm>>
        %dma_start3A_54 = tpu.memref_squeeze %dma_start3A_53 : memref<1x80x128xf32, #tpu.memory_space<hbm>> -> memref<80x128xf32, #tpu.memory_space<hbm>>
        %dma_start3A_55 = arith.constant 0 : i32
        %dma_start3A_56 = tpu.memref_slice %arg11[%add3A_48, %dma_start3A_55] : memref<10000x128xf32, #tpu.memory_space<vmem_shared>> -> memref<80x128xf32, #tpu.memory_space<vmem_shared>>
        tpu.enqueue_dma source(%dma_start3A_56 : memref<80x128xf32, #tpu.memory_space<vmem_shared>>) target(%dma_start3A_54 : memref<80x128xf32, #tpu.memory_space<hbm>>) target_semaphore(%run_scoped3A : memref<!tpu.dma_semaphore, #tpu.memory_space<semaphore_mem>>)
        %dma_wait3A = arith.constant 0 : i32
        %dma_wait3A_57 = tpu.memref_slice %arg6[%arg0, %add3A_51, %dma_wait3A] : memref<2x10000x128xf32, #tpu.memory_space<hbm>> -> memref<1x80x128xf32, #tpu.memory_space<hbm>>
        %dma_wait3A_58 = tpu.memref_squeeze %dma_wait3A_57 : memref<1x80x128xf32, #tpu.memory_space<hbm>> -> memref<80x128xf32, #tpu.memory_space<hbm>>
        %dma_wait3A_59 = arith.constant 0 : i32
        %dma_wait3A_60 = tpu.memref_slice %arg11[%add3A_48, %dma_wait3A_59] : memref<10000x128xf32, #tpu.memory_space<vmem_shared>> -> memref<80x128xf32, #tpu.memory_space<vmem_shared>>
        tpu.wait_dma2 semaphore(%run_scoped3A : memref<!tpu.dma_semaphore, #tpu.memory_space<semaphore_mem>>) src(%dma_wait3A_60 : memref<80x128xf32, #tpu.memory_space<vmem_shared>>) dst(%dma_wait3A_58 : memref<80x128xf32, #tpu.memory_space<hbm>>)
        tpu.yield
      }) : () -> ()
      %while3A_52 = arith.constant 0 : i32
      scf.yield %while3A_52 : i32
    }
    return
  }
}

#map = affine_map<(d0, d1) -> (0, 0)>
#map1 = affine_map<(d0, d1) -> (0)>
#map2 = affine_map<(d0, d1) -> (0, 0, 0, 0)>
#map3 = affine_map<(d0, d1) -> (0, 0, 0)>
module attributes {stable_mosaic.version = 14 : i64} {
  func.func @_edge_logits(%arg0: i32, %arg1: i32, %arg2: memref<8x10000xf32, #tpu.memory_space<hbm>>, %arg3: memref<320000xi32, #tpu.memory_space<hbm>>, %arg4: memref<320000xi32, #tpu.memory_space<hbm>>, %arg5: memref<1x128xf32, #tpu.memory_space<hbm>>, %arg6: memref<32x125x4x80xf32, #tpu.memory_space<hbm>>, %arg7: memref<32x4x10000xf32, #tpu.memory_space<hbm>>, %arg8: memref<8x10000xf32, #tpu.memory_space<vmem>>, %arg9: memref<4x10000xf32, #tpu.memory_space<vmem>>, %arg10: memref<80xi32, #tpu.memory_space<vmem>>, %arg11: memref<80xi32, #tpu.memory_space<vmem>>, %arg12: memref<4x80xf32, #tpu.memory_space<vmem>>, %arg13: memref<128xf32, #tpu.memory_space<vmem>>) attributes {dimension_semantics = [#tpu.dimension_semantics<core_parallel>, #tpu.dimension_semantics<subcore_parallel>], iteration_bounds = array<i64: 2, 16>, scalar_prefetch = 0 : i64, scratch_operands = 6 : i64, tpu.core_type = #tpu.core_type<sc_vector_subcore>, window_params = [{transform_indices = #map}, {transform_indices = #map1}, {transform_indices = #map1}, {transform_indices = #map}, {transform_indices = #map2}, {transform_indices = #map3}]} {
    %mul3A = arith.constant 2 : i32
    %mul3A_0 = arith.muli %arg1, %mul3A : i32
    %add3A = arith.addi %mul3A_0, %arg0 : i32
    %mul3A_1 = arith.constant 10000 : i32
    %mul3A_2 = arith.muli %add3A, %mul3A_1 : i32
    "tpu.region"() ({
      %run_scoped3A_17 = tpu.sem_alloc : memref<!tpu.dma_semaphore, #tpu.memory_space<semaphore_mem>>
      tpu.enqueue_dma source(%arg2 : memref<8x10000xf32, #tpu.memory_space<hbm>>) target(%arg8 : memref<8x10000xf32, #tpu.memory_space<vmem>>) target_semaphore(%run_scoped3A_17 : memref<!tpu.dma_semaphore, #tpu.memory_space<semaphore_mem>>)
      tpu.wait_dma2 semaphore(%run_scoped3A_17 : memref<!tpu.dma_semaphore, #tpu.memory_space<semaphore_mem>>) src(%arg2 : memref<8x10000xf32, #tpu.memory_space<hbm>>) dst(%arg8 : memref<8x10000xf32, #tpu.memory_space<vmem>>)
      tpu.yield
    }) : () -> ()
    %run_scoped3A = arith.constant 0 : i32
    "tpu.region"() ({
      %run_scoped3A_17 = tpu.sem_alloc : memref<!tpu.dma_semaphore, #tpu.memory_space<semaphore_mem>>
      %dma_start3A = arith.constant 0 : i32
      %dma_start3A_18 = tpu.memref_slice %arg5[%run_scoped3A, %dma_start3A] : memref<1x128xf32, #tpu.memory_space<hbm>> -> memref<1x128xf32, #tpu.memory_space<hbm>>
      %dma_start3A_19 = tpu.memref_squeeze %dma_start3A_18 : memref<1x128xf32, #tpu.memory_space<hbm>> -> memref<128xf32, #tpu.memory_space<hbm>>
      %dma_start3A_20 = arith.constant 0 : i32
      %dma_start3A_21 = tpu.memref_slice %arg5[%run_scoped3A, %dma_start3A_20] : memref<1x128xf32, #tpu.memory_space<hbm>> -> memref<1x128xf32, #tpu.memory_space<hbm>>
      %dma_start3A_22 = tpu.memref_squeeze %dma_start3A_21 : memref<1x128xf32, #tpu.memory_space<hbm>> -> memref<128xf32, #tpu.memory_space<hbm>>
      tpu.enqueue_dma source(%dma_start3A_22 : memref<128xf32, #tpu.memory_space<hbm>>) target(%arg13 : memref<128xf32, #tpu.memory_space<vmem>>) target_semaphore(%run_scoped3A_17 : memref<!tpu.dma_semaphore, #tpu.memory_space<semaphore_mem>>)
      %dma_wait3A = arith.constant 0 : i32
      %dma_wait3A_23 = tpu.memref_slice %arg5[%run_scoped3A, %dma_wait3A] : memref<1x128xf32, #tpu.memory_space<hbm>> -> memref<1x128xf32, #tpu.memory_space<hbm>>
      %dma_wait3A_24 = tpu.memref_squeeze %dma_wait3A_23 : memref<1x128xf32, #tpu.memory_space<hbm>> -> memref<128xf32, #tpu.memory_space<hbm>>
      %dma_wait3A_25 = arith.constant 0 : i32
      %dma_wait3A_26 = tpu.memref_slice %arg5[%run_scoped3A, %dma_wait3A_25] : memref<1x128xf32, #tpu.memory_space<hbm>> -> memref<1x128xf32, #tpu.memory_space<hbm>>
      %dma_wait3A_27 = tpu.memref_squeeze %dma_wait3A_26 : memref<1x128xf32, #tpu.memory_space<hbm>> -> memref<128xf32, #tpu.memory_space<hbm>>
      tpu.wait_dma2 semaphore(%run_scoped3A_17 : memref<!tpu.dma_semaphore, #tpu.memory_space<semaphore_mem>>) src(%dma_wait3A_27 : memref<128xf32, #tpu.memory_space<hbm>>) dst(%arg13 : memref<128xf32, #tpu.memory_space<vmem>>)
      tpu.yield
    }) : () -> ()
    %get3A = arith.constant 0 : index
    %get3A_3 = tpu.vector_load %arg13[%get3A] {strides = array<i32>} : memref<128xf32, #tpu.memory_space<vmem>>, vector<16xf32>,
    %scan3A = arith.constant 0 : i32
    %scan3A_4 = arith.constant 0 : i32
    %scan3A_5 = arith.constant 2500 : i32
    %scan3A_6 = arith.addi %scan3A_4, %scan3A_5 : i32
    %scan3A_7 = arith.constant 1 : i32
    %scan3A_8 = scf.for %scan3A_17 = %scan3A_4 to %scan3A_6 step %scan3A_7 iter_args(%scan3A_18 = %scan3A) -> (i32)  : i32 {
      %broadcast_in_dim3A = arith.constant 0.000000e+00 : f32
      %broadcast_in_dim3A_19 = vector.broadcast %broadcast_in_dim3A : f32 to vector<16xf32>
      %jit3A = arith.constant 625 : i32
      %div3A = arith.divsi %scan3A_17, %jit3A : i32
      %sign3A = arith.constant 0 : i32
      %sign3A_20 = arith.cmpi sgt, %scan3A_17, %sign3A : i32
      %sign3A_21 = arith.extui %sign3A_20 : i1 to i32
      %sign3A_22 = arith.constant 0 : i32
      %sign3A_23 = arith.cmpi slt, %scan3A_17, %sign3A_22 : i32
      %sign3A_24 = arith.extui %sign3A_23 : i1 to i32
      %sign3A_25 = arith.subi %sign3A_21, %sign3A_24 : i32
      %sign3A_26 = arith.constant 0 : i32
      %sign3A_27 = arith.cmpi sgt, %jit3A, %sign3A_26 : i32
      %sign3A_28 = arith.extui %sign3A_27 : i1 to i32
      %sign3A_29 = arith.constant 0 : i32
      %sign3A_30 = arith.cmpi slt, %jit3A, %sign3A_29 : i32
      %sign3A_31 = arith.extui %sign3A_30 : i1 to i32
      %sign3A_32 = arith.subi %sign3A_28, %sign3A_31 : i32
      %ne3A = arith.cmpi ne, %sign3A_25, %sign3A_32 : i32
      %rem3A = arith.remsi %scan3A_17, %jit3A : i32
      %ne3A_33 = arith.constant 0 : i32
      %ne3A_34 = arith.cmpi ne, %rem3A, %ne3A_33 : i32
      %and3A = arith.andi %ne3A, %ne3A_34 : i1
      %sub3A = arith.constant 1 : i32
      %sub3A_35 = arith.subi %div3A, %sub3A : i32
      %select_n3A = arith.select %and3A, %sub3A_35, %div3A : i32
      %jit3A_36 = arith.constant 625 : i32
      %eq3A = arith.constant 0 : i32
      %eq3A_37 = arith.cmpi eq, %jit3A_36, %eq3A : i32
      %jit3A_38 = arith.constant 1 : i32
      %select_n3A_39 = arith.select %eq3A_37, %jit3A_38, %jit3A_36 : i32
      %rem3A_40 = arith.remsi %scan3A_17, %select_n3A_39 : i32
      %ne3A_41 = arith.constant 0 : i32
      %ne3A_42 = arith.cmpi ne, %rem3A_40, %ne3A_41 : i32
      %lt3A = arith.constant 0 : i32
      %lt3A_43 = arith.cmpi slt, %rem3A_40, %lt3A : i32
      %lt3A_44 = arith.constant 0 : i32
      %lt3A_45 = arith.cmpi slt, %select_n3A_39, %lt3A_44 : i32
      %ne3A_46 = arith.xori %lt3A_43, %lt3A_45 : i1
      %and3A_47 = arith.andi %ne3A_46, %ne3A_42 : i1
      %add3A_48 = arith.addi %rem3A_40, %select_n3A_39 : i32
      %select_n3A_49 = arith.select %and3A_47, %add3A_48, %rem3A_40 : i32
      %mul3A_50 = arith.constant 16 : i32
      %mul3A_51 = arith.muli %select_n3A_49, %mul3A_50 : i32
      %swap3A = arith.index_cast %select_n3A : i32 to index
      %swap3A_52 = arith.index_cast %mul3A_51 : i32 to index
      %swap3A_53 = tpu.vector_load %arg9[%swap3A, %swap3A_52] {strides = array<i32>} : memref<4x10000xf32, #tpu.memory_space<vmem>>, vector<16xf32>,
      tpu.vector_store %arg9[%swap3A, %swap3A_52], %broadcast_in_dim3A_19 {strides = array<i32>} : memref<4x10000xf32, #tpu.memory_space<vmem>>, vector<16xf32>,
      %scan3A_54 = arith.constant 0 : i32
      scf.yield %scan3A_54 : i32
    }
    %scan3A_9 = arith.constant 2500 : i32
    %scan3A_10 = arith.constant 0 : i32
    %scan3A_11 = arith.constant 0 : i32
    %scan3A_12 = arith.constant 125 : i32
    %scan3A_13 = arith.addi %scan3A_11, %scan3A_12 : i32
    %scan3A_14 = arith.constant 1 : i32
    %scan3A_15 = scf.for %scan3A_17 = %scan3A_11 to %scan3A_13 step %scan3A_14 iter_args(%scan3A_18 = %scan3A_10) -> (i32)  : i32 {
      %mul3A_19 = arith.constant 80 : i32
      %mul3A_20 = arith.muli %scan3A_17, %mul3A_19 : i32
      %add3A_21 = arith.addi %mul3A_2, %mul3A_20 : i32
      "tpu.region"() ({
        %run_scoped3A_30 = tpu.sem_alloc : memref<!tpu.dma_semaphore, #tpu.memory_space<semaphore_mem>>
        %dma_start3A = tpu.memref_slice %arg3[%add3A_21] : memref<320000xi32, #tpu.memory_space<hbm>> -> memref<80xi32, #tpu.memory_space<hbm>>
        %dma_start3A_31 = tpu.memref_slice %arg3[%add3A_21] : memref<320000xi32, #tpu.memory_space<hbm>> -> memref<80xi32, #tpu.memory_space<hbm>>
        tpu.enqueue_dma source(%dma_start3A_31 : memref<80xi32, #tpu.memory_space<hbm>>) target(%arg10 : memref<80xi32, #tpu.memory_space<vmem>>) target_semaphore(%run_scoped3A_30 : memref<!tpu.dma_semaphore, #tpu.memory_space<semaphore_mem>>)
        %dma_wait3A = tpu.memref_slice %arg3[%add3A_21] : memref<320000xi32, #tpu.memory_space<hbm>> -> memref<80xi32, #tpu.memory_space<hbm>>
        %dma_wait3A_32 = tpu.memref_slice %arg3[%add3A_21] : memref<320000xi32, #tpu.memory_space<hbm>> -> memref<80xi32, #tpu.memory_space<hbm>>
        tpu.wait_dma2 semaphore(%run_scoped3A_30 : memref<!tpu.dma_semaphore, #tpu.memory_space<semaphore_mem>>) src(%dma_wait3A_32 : memref<80xi32, #tpu.memory_space<hbm>>) dst(%arg10 : memref<80xi32, #tpu.memory_space<vmem>>)
        tpu.yield
      }) : () -> ()
      "tpu.region"() ({
        %run_scoped3A_30 = tpu.sem_alloc : memref<!tpu.dma_semaphore, #tpu.memory_space<semaphore_mem>>
        %dma_start3A = tpu.memref_slice %arg4[%add3A_21] : memref<320000xi32, #tpu.memory_space<hbm>> -> memref<80xi32, #tpu.memory_space<hbm>>
        %dma_start3A_31 = tpu.memref_slice %arg4[%add3A_21] : memref<320000xi32, #tpu.memory_space<hbm>> -> memref<80xi32, #tpu.memory_space<hbm>>
        tpu.enqueue_dma source(%dma_start3A_31 : memref<80xi32, #tpu.memory_space<hbm>>) target(%arg11 : memref<80xi32, #tpu.memory_space<vmem>>) target_semaphore(%run_scoped3A_30 : memref<!tpu.dma_semaphore, #tpu.memory_space<semaphore_mem>>)
        %dma_wait3A = tpu.memref_slice %arg4[%add3A_21] : memref<320000xi32, #tpu.memory_space<hbm>> -> memref<80xi32, #tpu.memory_space<hbm>>
        %dma_wait3A_32 = tpu.memref_slice %arg4[%add3A_21] : memref<320000xi32, #tpu.memory_space<hbm>> -> memref<80xi32, #tpu.memory_space<hbm>>
        tpu.wait_dma2 semaphore(%run_scoped3A_30 : memref<!tpu.dma_semaphore, #tpu.memory_space<semaphore_mem>>) src(%dma_wait3A_32 : memref<80xi32, #tpu.memory_space<hbm>>) dst(%arg11 : memref<80xi32, #tpu.memory_space<vmem>>)
        tpu.yield
      }) : () -> ()
      %scan3A_22 = arith.constant 0 : i32
      %scan3A_23 = arith.constant 0 : i32
      %scan3A_24 = arith.constant 5 : i32
      %scan3A_25 = arith.addi %scan3A_23, %scan3A_24 : i32
      %scan3A_26 = arith.constant 1 : i32
      %scan3A_27 = scf.for %scan3A_30 = %scan3A_23 to %scan3A_25 step %scan3A_26 iter_args(%scan3A_31 = %scan3A_22) -> (i32)  : i32 {
        %mul3A_32 = arith.constant 16 : i32
        %mul3A_33 = arith.muli %scan3A_30, %mul3A_32 : i32
        %get3A_34 = arith.index_cast %mul3A_33 : i32 to index
        %get3A_35 = tpu.vector_load %arg10[%get3A_34] {strides = array<i32>} : memref<80xi32, #tpu.memory_space<vmem>>, vector<16xi32>,
        %mul3A_36 = arith.constant 16 : i32
        %mul3A_37 = arith.muli %scan3A_30, %mul3A_36 : i32
        %get3A_38 = arith.index_cast %mul3A_37 : i32 to index
        %get3A_39 = tpu.vector_load %arg11[%get3A_38] {strides = array<i32>} : memref<80xi32, #tpu.memory_space<vmem>>, vector<16xi32>,
        %broadcast_in_dim3A = arith.constant 0 : i32
        %broadcast_in_dim3A_40 = vector.broadcast %broadcast_in_dim3A : i32 to vector<16xi32>
        %broadcast_in_dim3A_41 = arith.constant 4 : i32
        %broadcast_in_dim3A_42 = vector.broadcast %broadcast_in_dim3A_41 : i32 to vector<16xi32>
        %gather3A = tpu.vector_load_idx %arg8[%broadcast_in_dim3A_40, %get3A_35] : memref<8x10000xf32, #tpu.memory_space<vmem>>[vector<16xi32>, vector<16xi32>], vector<16xf32>,
        %gather3A_43 = tpu.vector_load_idx %arg8[%broadcast_in_dim3A_42, %get3A_39] : memref<8x10000xf32, #tpu.memory_space<vmem>>[vector<16xi32>, vector<16xi32>], vector<16xf32>,
        %add3A_44 = arith.addf %gather3A, %gather3A_43 : vector<16xf32>
        %gt3A = arith.constant 0.000000e+00 : f32
        %gt3A_45 = vector.broadcast %gt3A : f32 to vector<16xf32>
        %gt3A_46 = arith.cmpf ogt, %add3A_44, %gt3A_45 : vector<16xf32>
        %mul3A_47 = arith.constant 2.000000e-01 : f32
        %mul3A_48 = vector.broadcast %mul3A_47 : f32 to vector<16xf32>
        %mul3A_49 = arith.mulf %mul3A_48, %add3A_44 : vector<16xf32>
        %select_n3A = arith.select %gt3A_46, %add3A_44, %mul3A_49 : vector<16xi1>, vector<16xf32>
        %sub3A = arith.subf %select_n3A, %get3A_3 : vector<16xf32>
        %exp3A = math.exp %sub3A : vector<16xf32>
        %mul3A_50 = arith.constant 16 : i32
        %mul3A_51 = arith.muli %scan3A_30, %mul3A_50 : i32
        %swap3A = arith.constant 0 : i32
        %swap3A_52 = arith.index_cast %swap3A : i32 to index
        %swap3A_53 = arith.index_cast %mul3A_51 : i32 to index
        %swap3A_54 = tpu.vector_load %arg12[%swap3A_52, %swap3A_53] {strides = array<i32>} : memref<4x80xf32, #tpu.memory_space<vmem>>, vector<16xf32>,
        tpu.vector_store %arg12[%swap3A_52, %swap3A_53], %exp3A {strides = array<i32>} : memref<4x80xf32, #tpu.memory_space<vmem>>, vector<16xf32>,
        tpu.vector_store_idx %arg9[%broadcast_in_dim3A_40, %get3A_35], %exp3A {add = true} : memref<4x10000xf32, #tpu.memory_space<vmem>>[vector<16xi32>, vector<16xi32>], vector<16xf32>,
        %broadcast_in_dim3A_55 = arith.constant 1 : i32
        %broadcast_in_dim3A_56 = vector.broadcast %broadcast_in_dim3A_55 : i32 to vector<16xi32>
        %broadcast_in_dim3A_57 = arith.constant 5 : i32
        %broadcast_in_dim3A_58 = vector.broadcast %broadcast_in_dim3A_57 : i32 to vector<16xi32>
        %gather3A_59 = tpu.vector_load_idx %arg8[%broadcast_in_dim3A_56, %get3A_35] : memref<8x10000xf32, #tpu.memory_space<vmem>>[vector<16xi32>, vector<16xi32>], vector<16xf32>,
        %gather3A_60 = tpu.vector_load_idx %arg8[%broadcast_in_dim3A_58, %get3A_39] : memref<8x10000xf32, #tpu.memory_space<vmem>>[vector<16xi32>, vector<16xi32>], vector<16xf32>,
        %add3A_61 = arith.addf %gather3A_59, %gather3A_60 : vector<16xf32>
        %gt3A_62 = arith.constant 0.000000e+00 : f32
        %gt3A_63 = vector.broadcast %gt3A_62 : f32 to vector<16xf32>
        %gt3A_64 = arith.cmpf ogt, %add3A_61, %gt3A_63 : vector<16xf32>
        %mul3A_65 = arith.constant 2.000000e-01 : f32
        %mul3A_66 = vector.broadcast %mul3A_65 : f32 to vector<16xf32>
        %mul3A_67 = arith.mulf %mul3A_66, %add3A_61 : vector<16xf32>
        %select_n3A_68 = arith.select %gt3A_64, %add3A_61, %mul3A_67 : vector<16xi1>, vector<16xf32>
        %sub3A_69 = arith.subf %select_n3A_68, %get3A_3 : vector<16xf32>
        %exp3A_70 = math.exp %sub3A_69 : vector<16xf32>
        %mul3A_71 = arith.constant 16 : i32
        %mul3A_72 = arith.muli %scan3A_30, %mul3A_71 : i32
        %swap3A_73 = arith.constant 1 : i32
        %swap3A_74 = arith.index_cast %swap3A_73 : i32 to index
        %swap3A_75 = arith.index_cast %mul3A_72 : i32 to index
        %swap3A_76 = tpu.vector_load %arg12[%swap3A_74, %swap3A_75] {strides = array<i32>} : memref<4x80xf32, #tpu.memory_space<vmem>>, vector<16xf32>,
        tpu.vector_store %arg12[%swap3A_74, %swap3A_75], %exp3A_70 {strides = array<i32>} : memref<4x80xf32, #tpu.memory_space<vmem>>, vector<16xf32>,
        tpu.vector_store_idx %arg9[%broadcast_in_dim3A_56, %get3A_35], %exp3A_70 {add = true} : memref<4x10000xf32, #tpu.memory_space<vmem>>[vector<16xi32>, vector<16xi32>], vector<16xf32>,
        %broadcast_in_dim3A_77 = arith.constant 2 : i32
        %broadcast_in_dim3A_78 = vector.broadcast %broadcast_in_dim3A_77 : i32 to vector<16xi32>
        %broadcast_in_dim3A_79 = arith.constant 6 : i32
        %broadcast_in_dim3A_80 = vector.broadcast %broadcast_in_dim3A_79 : i32 to vector<16xi32>
        %gather3A_81 = tpu.vector_load_idx %arg8[%broadcast_in_dim3A_78, %get3A_35] : memref<8x10000xf32, #tpu.memory_space<vmem>>[vector<16xi32>, vector<16xi32>], vector<16xf32>,
        %gather3A_82 = tpu.vector_load_idx %arg8[%broadcast_in_dim3A_80, %get3A_39] : memref<8x10000xf32, #tpu.memory_space<vmem>>[vector<16xi32>, vector<16xi32>], vector<16xf32>,
        %add3A_83 = arith.addf %gather3A_81, %gather3A_82 : vector<16xf32>
        %gt3A_84 = arith.constant 0.000000e+00 : f32
        %gt3A_85 = vector.broadcast %gt3A_84 : f32 to vector<16xf32>
        %gt3A_86 = arith.cmpf ogt, %add3A_83, %gt3A_85 : vector<16xf32>
        %mul3A_87 = arith.constant 2.000000e-01 : f32
        %mul3A_88 = vector.broadcast %mul3A_87 : f32 to vector<16xf32>
        %mul3A_89 = arith.mulf %mul3A_88, %add3A_83 : vector<16xf32>
        %select_n3A_90 = arith.select %gt3A_86, %add3A_83, %mul3A_89 : vector<16xi1>, vector<16xf32>
        %sub3A_91 = arith.subf %select_n3A_90, %get3A_3 : vector<16xf32>
        %exp3A_92 = math.exp %sub3A_91 : vector<16xf32>
        %mul3A_93 = arith.constant 16 : i32
        %mul3A_94 = arith.muli %scan3A_30, %mul3A_93 : i32
        %swap3A_95 = arith.constant 2 : i32
        %swap3A_96 = arith.index_cast %swap3A_95 : i32 to index
        %swap3A_97 = arith.index_cast %mul3A_94 : i32 to index
        %swap3A_98 = tpu.vector_load %arg12[%swap3A_96, %swap3A_97] {strides = array<i32>} : memref<4x80xf32, #tpu.memory_space<vmem>>, vector<16xf32>,
        tpu.vector_store %arg12[%swap3A_96, %swap3A_97], %exp3A_92 {strides = array<i32>} : memref<4x80xf32, #tpu.memory_space<vmem>>, vector<16xf32>,
        tpu.vector_store_idx %arg9[%broadcast_in_dim3A_78, %get3A_35], %exp3A_92 {add = true} : memref<4x10000xf32, #tpu.memory_space<vmem>>[vector<16xi32>, vector<16xi32>], vector<16xf32>,
        %broadcast_in_dim3A_99 = arith.constant 3 : i32
        %broadcast_in_dim3A_100 = vector.broadcast %broadcast_in_dim3A_99 : i32 to vector<16xi32>
        %broadcast_in_dim3A_101 = arith.constant 7 : i32
        %broadcast_in_dim3A_102 = vector.broadcast %broadcast_in_dim3A_101 : i32 to vector<16xi32>
        %gather3A_103 = tpu.vector_load_idx %arg8[%broadcast_in_dim3A_100, %get3A_35] : memref<8x10000xf32, #tpu.memory_space<vmem>>[vector<16xi32>, vector<16xi32>], vector<16xf32>,
        %gather3A_104 = tpu.vector_load_idx %arg8[%broadcast_in_dim3A_102, %get3A_39] : memref<8x10000xf32, #tpu.memory_space<vmem>>[vector<16xi32>, vector<16xi32>], vector<16xf32>,
        %add3A_105 = arith.addf %gather3A_103, %gather3A_104 : vector<16xf32>
        %gt3A_106 = arith.constant 0.000000e+00 : f32
        %gt3A_107 = vector.broadcast %gt3A_106 : f32 to vector<16xf32>
        %gt3A_108 = arith.cmpf ogt, %add3A_105, %gt3A_107 : vector<16xf32>
        %mul3A_109 = arith.constant 2.000000e-01 : f32
        %mul3A_110 = vector.broadcast %mul3A_109 : f32 to vector<16xf32>
        %mul3A_111 = arith.mulf %mul3A_110, %add3A_105 : vector<16xf32>
        %select_n3A_112 = arith.select %gt3A_108, %add3A_105, %mul3A_111 : vector<16xi1>, vector<16xf32>
        %sub3A_113 = arith.subf %select_n3A_112, %get3A_3 : vector<16xf32>
        %exp3A_114 = math.exp %sub3A_113 : vector<16xf32>
        %mul3A_115 = arith.constant 16 : i32
        %mul3A_116 = arith.muli %scan3A_30, %mul3A_115 : i32
        %swap3A_117 = arith.constant 3 : i32
        %swap3A_118 = arith.index_cast %swap3A_117 : i32 to index
        %swap3A_119 = arith.index_cast %mul3A_116 : i32 to index
        %swap3A_120 = tpu.vector_load %arg12[%swap3A_118, %swap3A_119] {strides = array<i32>} : memref<4x80xf32, #tpu.memory_space<vmem>>, vector<16xf32>,
        tpu.vector_store %arg12[%swap3A_118, %swap3A_119], %exp3A_114 {strides = array<i32>} : memref<4x80xf32, #tpu.memory_space<vmem>>, vector<16xf32>,
        tpu.vector_store_idx %arg9[%broadcast_in_dim3A_100, %get3A_35], %exp3A_114 {add = true} : memref<4x10000xf32, #tpu.memory_space<vmem>>[vector<16xi32>, vector<16xi32>], vector<16xf32>,
        %scan3A_121 = arith.constant 0 : i32
        scf.yield %scan3A_121 : i32
      }
      %scan3A_28 = arith.constant 5 : i32
      "tpu.region"() ({
        %run_scoped3A_30 = tpu.sem_alloc : memref<!tpu.dma_semaphore, #tpu.memory_space<semaphore_mem>>
        %dma_start3A = arith.constant 0 : i32
        %dma_start3A_31 = arith.constant 0 : i32
        %dma_start3A_32 = tpu.memref_slice %arg6[%add3A, %scan3A_17, %dma_start3A, %dma_start3A_31] : memref<32x125x4x80xf32, #tpu.memory_space<hbm>> -> memref<1x1x4x80xf32, #tpu.memory_space<hbm>>
        %dma_start3A_33 = tpu.memref_squeeze %dma_start3A_32 : memref<1x1x4x80xf32, #tpu.memory_space<hbm>> -> memref<4x80xf32, #tpu.memory_space<hbm>>
        %dma_start3A_34 = arith.constant 0 : i32
        %dma_start3A_35 = arith.constant 0 : i32
        %dma_start3A_36 = tpu.memref_slice %arg6[%add3A, %scan3A_17, %dma_start3A_34, %dma_start3A_35] : memref<32x125x4x80xf32, #tpu.memory_space<hbm>> -> memref<1x1x4x80xf32, #tpu.memory_space<hbm>>
        %dma_start3A_37 = tpu.memref_squeeze %dma_start3A_36 : memref<1x1x4x80xf32, #tpu.memory_space<hbm>> -> memref<4x80xf32, #tpu.memory_space<hbm>>
        tpu.enqueue_dma source(%arg12 : memref<4x80xf32, #tpu.memory_space<vmem>>) target(%dma_start3A_37 : memref<4x80xf32, #tpu.memory_space<hbm>>) target_semaphore(%run_scoped3A_30 : memref<!tpu.dma_semaphore, #tpu.memory_space<semaphore_mem>>)
        %dma_wait3A = arith.constant 0 : i32
        %dma_wait3A_38 = arith.constant 0 : i32
        %dma_wait3A_39 = tpu.memref_slice %arg6[%add3A, %scan3A_17, %dma_wait3A, %dma_wait3A_38] : memref<32x125x4x80xf32, #tpu.memory_space<hbm>> -> memref<1x1x4x80xf32, #tpu.memory_space<hbm>>
        %dma_wait3A_40 = tpu.memref_squeeze %dma_wait3A_39 : memref<1x1x4x80xf32, #tpu.memory_space<hbm>> -> memref<4x80xf32, #tpu.memory_space<hbm>>
        %dma_wait3A_41 = arith.constant 0 : i32
        %dma_wait3A_42 = arith.constant 0 : i32
        %dma_wait3A_43 = tpu.memref_slice %arg6[%add3A, %scan3A_17, %dma_wait3A_41, %dma_wait3A_42] : memref<32x125x4x80xf32, #tpu.memory_space<hbm>> -> memref<1x1x4x80xf32, #tpu.memory_space<hbm>>
        %dma_wait3A_44 = tpu.memref_squeeze %dma_wait3A_43 : memref<1x1x4x80xf32, #tpu.memory_space<hbm>> -> memref<4x80xf32, #tpu.memory_space<hbm>>
        tpu.wait_dma2 semaphore(%run_scoped3A_30 : memref<!tpu.dma_semaphore, #tpu.memory_space<semaphore_mem>>) src(%arg12 : memref<4x80xf32, #tpu.memory_space<vmem>>) dst(%dma_wait3A_44 : memref<4x80xf32, #tpu.memory_space<hbm>>)
        tpu.yield
      }) : () -> ()
      %scan3A_29 = arith.constant 0 : i32
      scf.yield %scan3A_29 : i32
    }
    %scan3A_16 = arith.constant 125 : i32
    "tpu.region"() ({
      %run_scoped3A_17 = tpu.sem_alloc : memref<!tpu.dma_semaphore, #tpu.memory_space<semaphore_mem>>
      %dma_start3A = arith.constant 0 : i32
      %dma_start3A_18 = arith.constant 0 : i32
      %dma_start3A_19 = tpu.memref_slice %arg7[%add3A, %dma_start3A, %dma_start3A_18] : memref<32x4x10000xf32, #tpu.memory_space<hbm>> -> memref<1x4x10000xf32, #tpu.memory_space<hbm>>
      %dma_start3A_20 = tpu.memref_squeeze %dma_start3A_19 : memref<1x4x10000xf32, #tpu.memory_space<hbm>> -> memref<4x10000xf32, #tpu.memory_space<hbm>>
      %dma_start3A_21 = arith.constant 0 : i32
      %dma_start3A_22 = arith.constant 0 : i32
      %dma_start3A_23 = tpu.memref_slice %arg7[%add3A, %dma_start3A_21, %dma_start3A_22] : memref<32x4x10000xf32, #tpu.memory_space<hbm>> -> memref<1x4x10000xf32, #tpu.memory_space<hbm>>
      %dma_start3A_24 = tpu.memref_squeeze %dma_start3A_23 : memref<1x4x10000xf32, #tpu.memory_space<hbm>> -> memref<4x10000xf32, #tpu.memory_space<hbm>>
      tpu.enqueue_dma source(%arg9 : memref<4x10000xf32, #tpu.memory_space<vmem>>) target(%dma_start3A_24 : memref<4x10000xf32, #tpu.memory_space<hbm>>) target_semaphore(%run_scoped3A_17 : memref<!tpu.dma_semaphore, #tpu.memory_space<semaphore_mem>>)
      %dma_wait3A = arith.constant 0 : i32
      %dma_wait3A_25 = arith.constant 0 : i32
      %dma_wait3A_26 = tpu.memref_slice %arg7[%add3A, %dma_wait3A, %dma_wait3A_25] : memref<32x4x10000xf32, #tpu.memory_space<hbm>> -> memref<1x4x10000xf32, #tpu.memory_space<hbm>>
      %dma_wait3A_27 = tpu.memref_squeeze %dma_wait3A_26 : memref<1x4x10000xf32, #tpu.memory_space<hbm>> -> memref<4x10000xf32, #tpu.memory_space<hbm>>
      %dma_wait3A_28 = arith.constant 0 : i32
      %dma_wait3A_29 = arith.constant 0 : i32
      %dma_wait3A_30 = tpu.memref_slice %arg7[%add3A, %dma_wait3A_28, %dma_wait3A_29] : memref<32x4x10000xf32, #tpu.memory_space<hbm>> -> memref<1x4x10000xf32, #tpu.memory_space<hbm>>
      %dma_wait3A_31 = tpu.memref_squeeze %dma_wait3A_30 : memref<1x4x10000xf32, #tpu.memory_space<hbm>> -> memref<4x10000xf32, #tpu.memory_space<hbm>>
      tpu.wait_dma2 semaphore(%run_scoped3A_17 : memref<!tpu.dma_semaphore, #tpu.memory_space<semaphore_mem>>) src(%arg9 : memref<4x10000xf32, #tpu.memory_space<vmem>>) dst(%dma_wait3A_31 : memref<4x10000xf32, #tpu.memory_space<hbm>>)
      tpu.yield
    }) : () -> ()
    return
  }
}

module attributes {stable_mosaic.version = 14 : i64} {
  func.func @_prep_body(%arg0: memref<10000x128xf32, #tpu.memory_space<vmem>>, %arg1: memref<128x128xf32, #tpu.memory_space<vmem>>, %arg2: memref<1x128xf32, #tpu.memory_space<vmem>>, %arg3: memref<8x128xf32, #tpu.memory_space<vmem>>, %arg4: memref<10000x128xf32, #tpu.memory_space<vmem>>, %arg5: memref<8x10000xf32, #tpu.memory_space<vmem>>, %arg6: memref<1x128xf32, #tpu.memory_space<vmem>>) attributes {dimension_semantics = [], scalar_prefetch = 0 : i64, scratch_operands = 0 : i64, tpu.core_type = #tpu.core_type<tc>} {
    %get3A = arith.constant 0 : index
    %get3A_0 = arith.constant 0 : index
    %get3A_1 = vector.load %arg0[%get3A, %get3A_0] : memref<10000x128xf32, #tpu.memory_space<vmem>>, vector<10000x128xf32>
    %get3A_2 = arith.constant 0 : index
    %get3A_3 = arith.constant 0 : index
    %get3A_4 = vector.load %arg1[%get3A_2, %get3A_3] : memref<128x128xf32, #tpu.memory_space<vmem>>, vector<128x128xf32>
    %dot_general3A = arith.constant dense<0.000000e+00> : vector<10000x128xf32>
    %dot_general3A_5 = tpu.matmul %get3A_1, %get3A_4, %dot_general3A {dimension_numbers = #tpu.dot_dimension_numbers<[1], [0], [0], [1], [0, 0, 1, 1], [], []>, transpose_lhs_hint = false} : vector<10000x128xf32>, vector<128x128xf32>, vector<10000x128xf32> -> vector<10000x128xf32>
    %get3A_6 = arith.constant 0 : index
    %get3A_7 = arith.constant 0 : index
    %get3A_8 = vector.load %arg2[%get3A_6, %get3A_7] : memref<1x128xf32, #tpu.memory_space<vmem>>, vector<1x128xf32>
    %add3A = vector.broadcast %get3A_8 : vector<1x128xf32> to vector<10000x128xf32>
    %add3A_9 = arith.addf %dot_general3A_5, %add3A : vector<10000x128xf32>
    %swap3A = arith.constant 0 : index
    %swap3A_10 = arith.constant 0 : index
    %swap3A_11 = vector.load %arg4[%swap3A, %swap3A_10] : memref<10000x128xf32, #tpu.memory_space<vmem>>, vector<10000x128xf32>
    tpu.vector_store %arg4[%swap3A, %swap3A_10], %add3A_9 {strides = array<i32>} : memref<10000x128xf32, #tpu.memory_space<vmem>>, vector<10000x128xf32>,
    %get3A_12 = arith.constant 0 : index
    %get3A_13 = arith.constant 0 : index
    %get3A_14 = vector.load %arg3[%get3A_12, %get3A_13] : memref<8x128xf32, #tpu.memory_space<vmem>>, vector<8x128xf32>
    %dot_general3A_15 = arith.constant dense<0.000000e+00> : vector<8x10000xf32>
    %dot_general3A_16 = tpu.matmul %get3A_14, %add3A_9, %dot_general3A_15 {dimension_numbers = #tpu.dot_dimension_numbers<[1], [1], [0], [0], [0, 0, 1, 0], [], []>, transpose_lhs_hint = false} : vector<8x128xf32>, vector<10000x128xf32>, vector<8x10000xf32> -> vector<8x10000xf32>
    %swap3A_17 = arith.constant 0 : index
    %swap3A_18 = arith.constant 0 : index
    %swap3A_19 = vector.load %arg5[%swap3A_17, %swap3A_18] : memref<8x10000xf32, #tpu.memory_space<vmem>>, vector<8x10000xf32>
    tpu.vector_store %arg5[%swap3A_17, %swap3A_18], %dot_general3A_16 {strides = array<i32>} : memref<8x10000xf32, #tpu.memory_space<vmem>>, vector<8x10000xf32>,
    %slice3A = vector.extract_strided_slice %dot_general3A_16 {offsets = [0, 0], sizes = [4, 10000], strides = [1, 1]} : vector<8x10000xf32> to vector<4x10000xf32>
    %reduce_max3A = vector.shape_cast %slice3A : vector<4x10000xf32> to vector<1x4x10000xf32>
    %reduce_max3A_20 = arith.constant dense<0xFF800000> : vector<1xf32>
    %reduce_max3A_21 = vector.multi_reduction <maximumf>, %reduce_max3A, %reduce_max3A_20 [1, 2] : vector<1x4x10000xf32> to vector<1xf32>
    %reduce_max3A_22 = vector.shape_cast %reduce_max3A_21 : vector<1xf32> to vector<1x1x1xf32>
    %reduce_max3A_23 = vector.extract %reduce_max3A_22[0, 0, 0] : f32 from vector<1x1x1xf32>
    %slice3A_24 = vector.extract_strided_slice %dot_general3A_16 {offsets = [4, 0], sizes = [4, 10000], strides = [1, 1]} : vector<8x10000xf32> to vector<4x10000xf32>
    %reduce_max3A_25 = vector.shape_cast %slice3A_24 : vector<4x10000xf32> to vector<1x4x10000xf32>
    %reduce_max3A_26 = arith.constant dense<0xFF800000> : vector<1xf32>
    %reduce_max3A_27 = vector.multi_reduction <maximumf>, %reduce_max3A_25, %reduce_max3A_26 [1, 2] : vector<1x4x10000xf32> to vector<1xf32>
    %reduce_max3A_28 = vector.shape_cast %reduce_max3A_27 : vector<1xf32> to vector<1x1x1xf32>
    %reduce_max3A_29 = vector.extract %reduce_max3A_28[0, 0, 0] : f32 from vector<1x1x1xf32>
    %add3A_30 = arith.addf %reduce_max3A_23, %reduce_max3A_29 : f32
    %max3A = arith.constant 0.000000e+00 : f32
    %max3A_31 = arith.maximumf %add3A_30, %max3A : f32
    %broadcast_in_dim3A = vector.broadcast %max3A_31 : f32 to vector<1x128xf32>
    %swap3A_32 = arith.constant 0 : index
    %swap3A_33 = arith.constant 0 : index
    %swap3A_34 = vector.load %arg6[%swap3A_32, %swap3A_33] : memref<1x128xf32, #tpu.memory_space<vmem>>, vector<1x128xf32>
    tpu.vector_store %arg6[%swap3A_32, %swap3A_33], %broadcast_in_dim3A {strides = array<i32>} : memref<1x128xf32, #tpu.memory_space<vmem>>, vector<1x128xf32>,
    return
  }
}

module attributes {stable_mosaic.version = 14 : i64} {
  func.func @_merge_body(%arg0: memref<10000x128xf32, #tpu.memory_space<vmem>>, %arg1: memref<2x10000x128xf32, #tpu.memory_space<vmem>>, %arg2: memref<32x4x10000xf32, #tpu.memory_space<vmem>>, %arg3: memref<10000x128xf32, #tpu.memory_space<vmem>>) attributes {dimension_semantics = [], scalar_prefetch = 0 : i64, scratch_operands = 0 : i64, tpu.core_type = #tpu.core_type<tc>} {
    %get3A = arith.constant 0 : index
    %get3A_0 = arith.constant 0 : index
    %get3A_1 = arith.constant 0 : index
    %get3A_2 = vector.load %arg1[%get3A, %get3A_0, %get3A_1] : memref<2x10000x128xf32, #tpu.memory_space<vmem>>, vector<1x10000x128xf32>
    %get3A_3 = vector.shape_cast %get3A_2 : vector<1x10000x128xf32> to vector<10000x128xf32>
    %get3A_4 = arith.constant 1 : index
    %get3A_5 = arith.constant 0 : index
    %get3A_6 = arith.constant 0 : index
    %get3A_7 = vector.load %arg1[%get3A_4, %get3A_5, %get3A_6] : memref<2x10000x128xf32, #tpu.memory_space<vmem>>, vector<1x10000x128xf32>
    %get3A_8 = vector.shape_cast %get3A_7 : vector<1x10000x128xf32> to vector<10000x128xf32>
    %add3A = arith.addf %get3A_3, %get3A_8 : vector<10000x128xf32>
    %get3A_9 = arith.constant 0 : index
    %get3A_10 = arith.constant 0 : index
    %get3A_11 = arith.constant 0 : index
    %get3A_12 = vector.load %arg2[%get3A_9, %get3A_10, %get3A_11] : memref<32x4x10000xf32, #tpu.memory_space<vmem>>, vector<32x4x10000xf32>
    %reduce_sum3A = arith.constant dense<0.000000e+00> : vector<4x10000xf32>
    %reduce_sum3A_13 = vector.multi_reduction <add>, %get3A_12, %reduce_sum3A [0] : vector<32x4x10000xf32> to vector<4x10000xf32>
    %gt3A = arith.constant 0.000000e+00 : f32
    %gt3A_14 = vector.broadcast %gt3A : f32 to vector<4x10000xf32>
    %gt3A_15 = arith.cmpf ogt, %reduce_sum3A_13, %gt3A_14 : vector<4x10000xf32>
    %div3A = arith.constant 1.000000e+00 : f32
    %div3A_16 = vector.broadcast %div3A : f32 to vector<4x10000xf32>
    %div3A_17 = arith.divf %div3A_16, %reduce_sum3A_13 : vector<4x10000xf32>
    %jit3A = arith.constant 0.000000e+00 : f32
    %broadcast_in_dim3A = vector.broadcast %jit3A : f32 to vector<4x10000xf32>
    %select_n3A = arith.select %gt3A_15, %div3A_17, %broadcast_in_dim3A : vector<4x10000xi1>, vector<4x10000xf32>
    %get3A_18 = arith.constant 0 : index
    %get3A_19 = arith.constant 0 : index
    %get3A_20 = vector.load %arg0[%get3A_18, %get3A_19] : memref<10000x128xf32, #tpu.memory_space<vmem>>, vector<10000x128xf32>
    %slice3A = vector.extract_strided_slice %add3A {offsets = [0, 0], sizes = [10000, 32], strides = [1, 1]} : vector<10000x128xf32> to vector<10000x32xf32>
    %slice3A_21 = vector.extract_strided_slice %select_n3A {offsets = [0, 0], sizes = [1, 10000], strides = [1, 1]} : vector<4x10000xf32> to vector<1x10000xf32>
    %squeeze3A = vector.shape_cast %slice3A_21 : vector<1x10000xf32> to vector<10000xf32>
    %broadcast_in_dim3A_22 = vector.shape_cast %squeeze3A : vector<10000xf32> to vector<10000x1xf32>
    %mul3A = vector.broadcast %broadcast_in_dim3A_22 : vector<10000x1xf32> to vector<10000x32xf32>
    %mul3A_23 = arith.mulf %slice3A, %mul3A : vector<10000x32xf32>
    %slice3A_24 = vector.extract_strided_slice %get3A_20 {offsets = [0, 0], sizes = [10000, 32], strides = [1, 1]} : vector<10000x128xf32> to vector<10000x32xf32>
    %add3A_25 = arith.addf %mul3A_23, %slice3A_24 : vector<10000x32xf32>
    %swap3A = arith.constant 0 : index
    %swap3A_26 = arith.constant 0 : index
    %swap3A_27 = vector.load %arg3[%swap3A, %swap3A_26] : memref<10000x128xf32, #tpu.memory_space<vmem>>, vector<10000x32xf32>
    tpu.vector_store %arg3[%swap3A, %swap3A_26], %add3A_25 {strides = array<i32>} : memref<10000x128xf32, #tpu.memory_space<vmem>>, vector<10000x32xf32>,
    %slice3A_28 = vector.extract_strided_slice %add3A {offsets = [0, 32], sizes = [10000, 32], strides = [1, 1]} : vector<10000x128xf32> to vector<10000x32xf32>
    %slice3A_29 = vector.extract_strided_slice %select_n3A {offsets = [1, 0], sizes = [1, 10000], strides = [1, 1]} : vector<4x10000xf32> to vector<1x10000xf32>
    %squeeze3A_30 = vector.shape_cast %slice3A_29 : vector<1x10000xf32> to vector<10000xf32>
    %broadcast_in_dim3A_31 = vector.shape_cast %squeeze3A_30 : vector<10000xf32> to vector<10000x1xf32>
    %mul3A_32 = vector.broadcast %broadcast_in_dim3A_31 : vector<10000x1xf32> to vector<10000x32xf32>
    %mul3A_33 = arith.mulf %slice3A_28, %mul3A_32 : vector<10000x32xf32>
    %slice3A_34 = vector.extract_strided_slice %get3A_20 {offsets = [0, 32], sizes = [10000, 32], strides = [1, 1]} : vector<10000x128xf32> to vector<10000x32xf32>
    %add3A_35 = arith.addf %mul3A_33, %slice3A_34 : vector<10000x32xf32>
    %swap3A_36 = arith.constant 0 : index
    %swap3A_37 = arith.constant 32 : index
    %swap3A_38 = vector.load %arg3[%swap3A_36, %swap3A_37] : memref<10000x128xf32, #tpu.memory_space<vmem>>, vector<10000x32xf32>
    tpu.vector_store %arg3[%swap3A_36, %swap3A_37], %add3A_35 {strides = array<i32>} : memref<10000x128xf32, #tpu.memory_space<vmem>>, vector<10000x32xf32>,
    %slice3A_39 = vector.extract_strided_slice %add3A {offsets = [0, 64], sizes = [10000, 32], strides = [1, 1]} : vector<10000x128xf32> to vector<10000x32xf32>
    %slice3A_40 = vector.extract_strided_slice %select_n3A {offsets = [2, 0], sizes = [1, 10000], strides = [1, 1]} : vector<4x10000xf32> to vector<1x10000xf32>
    %squeeze3A_41 = vector.shape_cast %slice3A_40 : vector<1x10000xf32> to vector<10000xf32>
    %broadcast_in_dim3A_42 = vector.shape_cast %squeeze3A_41 : vector<10000xf32> to vector<10000x1xf32>
    %mul3A_43 = vector.broadcast %broadcast_in_dim3A_42 : vector<10000x1xf32> to vector<10000x32xf32>
    %mul3A_44 = arith.mulf %slice3A_39, %mul3A_43 : vector<10000x32xf32>
    %slice3A_45 = vector.extract_strided_slice %get3A_20 {offsets = [0, 64], sizes = [10000, 32], strides = [1, 1]} : vector<10000x128xf32> to vector<10000x32xf32>
    %add3A_46 = arith.addf %mul3A_44, %slice3A_45 : vector<10000x32xf32>
    %swap3A_47 = arith.constant 0 : index
    %swap3A_48 = arith.constant 64 : index
    %swap3A_49 = vector.load %arg3[%swap3A_47, %swap3A_48] : memref<10000x128xf32, #tpu.memory_space<vmem>>, vector<10000x32xf32>
    tpu.vector_store %arg3[%swap3A_47, %swap3A_48], %add3A_46 {strides = array<i32>} : memref<10000x128xf32, #tpu.memory_space<vmem>>, vector<10000x32xf32>,
    %slice3A_50 = vector.extract_strided_slice %add3A {offsets = [0, 96], sizes = [10000, 32], strides = [1, 1]} : vector<10000x128xf32> to vector<10000x32xf32>
    %slice3A_51 = vector.extract_strided_slice %select_n3A {offsets = [3, 0], sizes = [1, 10000], strides = [1, 1]} : vector<4x10000xf32> to vector<1x10000xf32>
    %squeeze3A_52 = vector.shape_cast %slice3A_51 : vector<1x10000xf32> to vector<10000xf32>
    %broadcast_in_dim3A_53 = vector.shape_cast %squeeze3A_52 : vector<10000xf32> to vector<10000x1xf32>
    %mul3A_54 = vector.broadcast %broadcast_in_dim3A_53 : vector<10000x1xf32> to vector<10000x32xf32>
    %mul3A_55 = arith.mulf %slice3A_50, %mul3A_54 : vector<10000x32xf32>
    %slice3A_56 = vector.extract_strided_slice %get3A_20 {offsets = [0, 96], sizes = [10000, 32], strides = [1, 1]} : vector<10000x128xf32> to vector<10000x32xf32>
    %add3A_57 = arith.addf %mul3A_55, %slice3A_56 : vector<10000x32xf32>
    %swap3A_58 = arith.constant 0 : index
    %swap3A_59 = arith.constant 96 : index
    %swap3A_60 = vector.load %arg3[%swap3A_58, %swap3A_59] : memref<10000x128xf32, #tpu.memory_space<vmem>>, vector<10000x32xf32>
    tpu.vector_store %arg3[%swap3A_58, %swap3A_59], %add3A_57 {strides = array<i32>} : memref<10000x128xf32, #tpu.memory_space<vmem>>, vector<10000x32xf32>,
    return
  }
}

</mosaic_0001>

<sc_bundles>
// kernel: kernel.6.cloned.1.call-start
scs
__scs_entry_jumppad:
0x0: {  	(pc) =	sbr.rel $0x88, $3  }
0x1: {  	(tag) =	ssettag $0x0;
	lr =	simm.s32 $0x1  }
0x2: {  	[smem:$0x3F9C] =	sst lr;
	_ =	strace $0xD0000000  }
0x3: {  	_ = 	snop  }
0x4: {  	_ = 	snop  }
0x5: {  	_ = 	snop  }
0x6: {  	_ = 	snop  }
0x7: {  	_ = 	snop  }
__scs_overlays_trampoline_lowered:
0x8: {  	[smem:$0x3FAB] =	sst s0  }
0x9: {  	[smem:$0x3FAC] =	sst s1  }
0xa: {  	[smem:$0x3FAD] =	sst s2  }
0xb: {  	[smem:$0x3FAE] =	sst s3  }
0xc: {  	[smem:$0x3FAF] =	sst s4  }
0xd: {  	[smem:$0x3FB0] =	sst s5  }
0xe: {  	[smem:$0x3FB1] =	sst s6  }
0xf: {  	[smem:$0x3FB2] =	sst s7  }
0x10: {  	[smem:$0x3FB3] =	sst s8  }
0x11: {  	[smem:$0x3FB4] =	sst s9;
	s0 =	simm.s32 @!p0 $0x0  }
0x12: {  	s1 =	sld [smem:$0x3F9A];
	s0 =	simm.s32 @p0 $0x1  }
0x13: {  	[smem:$0x3FB5] =	sst s0;
	s0 =	simm.s32 @!p1 $0x0  }
0x14: {  	s2 =	sld [smem:$0x3F99];
	s0 =	simm.s32 @p1 $0x1  }
0x15: {  	[smem:$0x3FB6] =	sst s0;
	s0 =	simm.s32 @!p2 $0x0  }
0x16: {  	s3 =	sld [smem:$0x3FDB];
	s0 =	simm.s32 @p2 $0x1  }
0x17: {  	s4 =	simm.s32 $0x1BF5;
	[smem:$0x3FB8] =	sst s0  }
0x18: {  	s0 =	sld [smem:$0x3F9B];
	_ =	swait.ge [sflag:s4], $0x0  }
0x19: {  	s7 =	sld [smem:$0x3F9C]  }
0x1a: {  	s8 =	sadd.s32 $0xFFFFE003, lr  }
0x1b: {  	s9 =	sadd.s32 $0xFFFFFEF7, lr;
	s5 =	simm.s32 $0xFFFFFFFF;
	p2 =	slt.u32 s8, $0xFFFFF086  }
0x1c: {  	p1 =	slt.u32 s9, $0xF7A;
	s5 =	simm.s32 @!p2 $0x0  }
0x1d: {  	s5 =	simm.s32 @p1 $0x1;
	p0 =	seq.s32 s7, s2  }
0x1e: {  	s7 =	smul.u32 @!p0 $0xF7A, s2;
	p2 =	seq.s32 @!p0 s5, $0x0  }
0x1f: {  	s9 =	smul.u32 $0xF7A, s1;
	s8 =	simm.s32 @!p0 $0x1BF5;
	p2 =	por !p2, p0  }
0x20: {  	[sflag:s8] =	ssyncset.s32 @!p0 $0xFFFFF086;
	s6 =	sadd.s32 @!p0 s3, s7;
	s7 =	simm.s32 @!p0 $0x108  }
0x21: {  	s3 =	sadd.s32 s3, s9;
	s6 =	sadd.s32 @!p0 $0x88, s6;
	s7 =	simm.s32 @p2 $0x1082  }
0x22: {  	[simem:s7], [sflag:s8] =	dma.local @!p0 [hbm:s6], $0xF7A  }
0x23: {  	s9 =	sor.u32 $0xD0000000, s2;
	s6 =	simm.s32 $0x108;
	_ =	swait.ge @!p0 [sflag:s8], $0x0  }
0x24: {  	s3 =	sadd.s32 $0x88, s3;
	s6 =	simm.s32 @!p1 $0x1082;
	[sflag:s4] =	ssyncset.s32 $0xFFFFF086  }
0x25: {  	[simem:s6], [sflag:s4] =	dma.local [hbm:s3], $0xF7A  }
0x26: {  	[smem:$0x3F9C] =	sst s1;
	(tag) =	ssettag s2;
	_ =	strace s9  }
0x27: {  	s1 =	sld [smem:$0x3FAC]  }
0x28: {  	s2 =	sld [smem:$0x3FAD]  }
0x29: {  	s4 =	sld [smem:$0x3FAF]  }
0x2a: {  	p0 =	seq.s32 s5, $0x0;
	s5 =	sld [smem:$0x3FB0]  }
0x2b: {  	s6 =	sld [smem:$0x3FB1]  }
0x2c: {  	s7 =	sld [smem:$0x3FB2]  }
0x2d: {  	s3 =	simm.s32 $0x108;
	s8 =	sld [smem:$0x3FB3]  }
0x2e: {  	s3 =	simm.s32 @!p0 $0x1082;
	s9 =	sld [smem:$0x3FB4]  }
0x2f: {  	lr =	sadd.s32 s0, s3;
	s0 =	sld [smem:$0x3FAB]  }
0x30: {  	s3 =	sld [smem:$0x3FAE]  }
0x31: {  	[smem:$0x3FB7] =	sst s10  }
0x32: {  	s10 =	sld [smem:$0x3FB5];
	_ =	sdelay $0x3  }
0x33: {  	p0 =	seq.s32 s10, $0x1;
	s10 =	sld [smem:$0x3FB7];
	_ =	sdelay $0x3  }
0x34: {  	[smem:$0x3FB7] =	sst s10  }
0x35: {  	s10 =	sld [smem:$0x3FB6];
	_ =	sdelay $0x3  }
0x36: {  	p1 =	seq.s32 s10, $0x1;
	s10 =	sld [smem:$0x3FB7];
	_ =	sdelay $0x3  }
0x37: {  	[smem:$0x3FB7] =	sst s10  }
0x38: {  	s10 =	sld [smem:$0x3FB8]  }
0x39: {  	_ = 	snop;
	(pc) =	sbr.ind lr, $3  }
0x3a: {  	_ = 	snop  }
0x3b: {  	_ = 	snop  }
0x3c: {  	p2 =	seq.s32 s10, $0x1;
	s10 =	sld [smem:$0x3FB7]  }
0x3d: {  	_ =	shalt  }
0x3e: {  	_ =	shalt  }
0x3f: {  	_ =	shalt  }
0x40: {  	_ =	shalt  }
0x41: {  	_ =	shalt  }
0x42: {  	_ =	shalt  }
0x43: {  	_ =	shalt  }
0x44: {  	_ =	shalt  }
0x45: {  	_ =	shalt  }
0x46: {  	_ =	shalt  }
0x47: {  	_ =	shalt  }
0x48: {  	_ =	shalt  }
0x49: {  	_ =	shalt  }
0x4a: {  	_ =	shalt  }
0x4b: {  	_ =	shalt  }
0x4c: {  	_ =	shalt  }
0x4d: {  	_ =	shalt  }
0x4e: {  	_ =	shalt  }
0x4f: {  	_ =	shalt  }
0x50: {  	_ =	shalt  }
0x51: {  	_ =	shalt  }
0x52: {  	_ =	shalt  }
0x53: {  	_ =	shalt  }
0x54: {  	_ =	shalt  }
0x55: {  	_ =	shalt  }
0x56: {  	_ =	shalt  }
0x57: {  	_ =	shalt  }
0x58: {  	_ =	shalt  }
0x59: {  	_ =	shalt  }
0x5a: {  	_ =	shalt  }
0x5b: {  	_ =	shalt  }
0x5c: {  	_ =	shalt  }
0x5d: {  	_ =	shalt  }
0x5e: {  	_ =	shalt  }
0x5f: {  	_ =	shalt  }
0x60: {  	_ =	shalt  }
0x61: {  	_ =	shalt  }
0x62: {  	_ =	shalt  }
0x63: {  	_ =	shalt  }
0x64: {  	_ =	shalt  }
0x65: {  	_ =	shalt  }
0x66: {  	_ =	shalt  }
0x67: {  	_ =	shalt  }
0x68: {  	_ =	shalt  }
0x69: {  	_ =	shalt  }
0x6a: {  	_ =	shalt  }
0x6b: {  	_ =	shalt  }
0x6c: {  	_ =	shalt  }
0x6d: {  	_ =	shalt  }
0x6e: {  	_ =	shalt  }
0x6f: {  	_ =	shalt  }
0x70: {  	_ =	shalt  }
0x71: {  	_ =	shalt  }
0x72: {  	_ =	shalt  }
0x73: {  	_ =	shalt  }
0x74: {  	_ =	shalt  }
0x75: {  	_ =	shalt  }
0x76: {  	_ =	shalt  }
0x77: {  	_ =	shalt  }
0x78: {  	_ =	shalt  }
0x79: {  	_ =	shalt  }
0x7a: {  	_ =	shalt  }
0x7b: {  	_ =	shalt  }
0x7c: {  	_ =	shalt  }
0x7d: {  	_ =	shalt  }
0x7e: {  	_ =	shalt  }
0x7f: {  	_ =	shalt  }
0x80: {  	_ =	shalt  }
0x81: {  	_ =	shalt  }
0x82: {  	_ =	shalt  }
0x83: {  	_ =	shalt  }
0x84: {  	_ =	shalt  }
0x85: {  	_ =	shalt  }
0x86: {  	_ =	shalt  }
0x87: {  	_ =	shalt  }
.Lfunc_end0:
.L_simem_size_0:
called_computation_lowered:
.L_overlay_start_0:
0x88: {  	s2 =	sld [smem:$0x3FD9]  }
0x89: {  	s3 =	sld [smem:$0x3FFE];
	_ =	sdelay $0x1  }
0x8a: {  	s1 =	srdreg.scid  }
0x8b: {  	s0 =	sand.u32 $0x1, s1  }
0x8c: {  	s16 =	sshll.u32 s0, $0xA;
	s2 =	sadd.s32 s3, s2  }
0x8d: {  	s2 =	sadd.s32 s2, s16  }
0x8e: {  	[smem:$0x3FC3] =	sst s2  }
0x8f: {  	_ = 	snop  }
0x90: {  	(tm) =	ssettm $0x1  }
0x91: {  	s17 =	sld [smem:$0x3FFB];
	_ =	sdelay $0x3  }
0x92: {  	_ =	strace s17  }
0x93: {  	s2 =	sld [smem:$0x3FFC];
	_ =	sdelay $0x3  }
0x94: {  	_ =	strace s2  }
0x95: {  	s2 =	sld [smem:$0x3FFD];
	_ =	sdelay $0x3  }
0x96: {  	_ =	strace s2  }
0x97: {  	_ =	strace $0x8FFFFFFF  }
0x98: {  	s18 =	sld [smem:$0x3FDB];
	_ =	sdelay $0x1  }
0x99: {  	s19 =	simm.s32 $_scs_section_size  }
0x9a: {  	s4 =	simm.s32 $_size__tile_overlayer_lowered;
	s5 =	simm.s32 $_tile_overlayer_lowered  }
0x9b: {  	s22 =	simm.s32 $0x1BFF;
	s21 =	sshll.u32 s5, $0x1;
	s2 =	sadd.s32 s19, s18  }
0x9c: {  	s6 =	simm.s32 $0x0;
	s20 =	sshll.u32 s4, $0x1;
	s4 =	sadd.s32 s21, s2  }
0x9d: {  	[timem:s6], [sflag:s22] =	dma.local [hbm:s4], s20  }
0x9e: {  	_ =	swait.ge [sflag:s22], s20  }
0x9f: {  	s3 =	ssub.s32 $0x0, s20;
	[sflag:s22] =	ssyncset.done $0x0  }
0xa0: {  	[sflag:s22] =	ssyncadd.s32 s3;
	_ =	sdelay $0x1  }
0xa1: {  	s23 =	simm.s32 $0x1B8B  }
0xa2: {  	_ =	swait.ge [sflag:s23], $0x1  }
0xa3: {  	[sflag:s23] =	ssyncset.done $0x0  }
0xa4: {  	s25 =	simm.s32 $0x1B8E;
	s24 =	sld [smem:$0x3FFE];
	[sflag:s23] =	ssyncadd.s32 $0xFFFFFFFF  }
0xa5: {  	s26 =	simm.s32 $execute0_lowered;
	[smem:$0x3FD2] =	sst s25  }
0xa6: {  	s4 =	sshll.u32 s26, $0x1;
	_ =	strace $0x80000046;
	[dreg:$0x1] =	wrdreg $0xFFFFFFFF  }
0xa7: {  	s28 =	simm.s32 $_size_execute0_lowered;
	s2 =	sadd.s32 s2, s4;
	[dreg:$0x0] =	wrdreg $0x0  }
0xa8: {  	s4 =	sshll.u32 s28, $0x1;
	[dreg:$0x2] =	wrdreg s2  }
0xa9: {  	[dreg:$0x3] =	wrdreg s4  }
0xaa: {  	[dreg:$0x4] =	wrdreg $0xC0  }
0xab: {  	_ =	task [dreg:s6], $0x5FFFF  }
0xac: {  	[dreg:$0x1] =	wrdreg $0xFFFFFFFF  }
0xad: {  	[dreg:$0x0] =	wrdreg $0x60  }
0xae: {  	[dreg:$0x2] =	wrdreg s24  }
0xaf: {  	[dreg:$0x3] =	wrdreg $0x9  }
0xb0: {  	_ =	task.clear_ibuf [dreg:s6], $0x4FFFF;
	_ =	strace $0x90000046  }
0xb1: {  	s29 =	simm.s32 $0x9;
	_ =	strace $0x80000048  }
0xb2: {  	_ =	swait.ge [sflag:s29], $0x1  }
0xb3: {  	[sflag:s29] =	ssyncadd.s32 $0xFFFFFFFF  }
0xb4: {  	_ =	strace $0x90000048  }
0xb5: {  	_ =	sfence  }
0xb6: {  	s30 =	sld [smem:$0x0];
	_ =	sdelay $0x2  }
0xb7: {  	s31 =	sshll.u32 s1, $0xD;
	s1 =	sshrl.u32 s1, $0x2  }
0xb8: {  	s3 =	sand.u32 $0x4000, s31;
	s1 =	sadd.s32 s1, s30  }
0xb9: {  	s0 =	sor.u32 s3, s0;
	s1 =	sshll.u32 s1, $0x11  }
0xba: {  	s0 =	sor.u32 s1, s0  }
0xbb: {  	s0 =	sadd.s32 $0x8F2B, s0  }
0xbc: {  	[sflag:s0] =	ssyncadd.remote.s32 $0x1  }
0xbd: {  	_ =	sfence.sel $0xFFFF  }
0xbe: {  	[dreg:$0x0] =	wrdreg $0xFFFFFFFF;
	(pc) =	sbr.abs _section_cstart, $3  }
0xbf: {  	[dreg:$0x1] =	wrdreg $0xFFFFFFFF  }
0xc0: {  	_ =	task.clear_ibuf [dreg:s6], $0x2FFFF;
	_ =	strace $0x9FFFFFFF  }
0xc1: {  	(tm) =	ssettm $0x7FFFFFFF  }
tec
execute0_lowered:
.L_overlay_start_1:
0x0: {  	(tag) =	ssettag $0x1  }
0x1: {  	s9 =	rddreg [dreg:$0x0]  }
0x2: {  	s0 =	rddreg [dreg:$0x1];
	s2 =	simm.s32 $0x0;
	s4 =	srdreg.scid  }
0x3: {  	s1 =	stileid.u32;
	s14 =	simm.s32 $0x1D4C0;
	s15 =	simm.s32 $0x1D510  }
0x4: {  	s16 =	simm.s32 $0x13880;
	s17 =	simm.s32 $0x1D560;
	s18 =	simm.s32 $0x0  }
0x5: {  	[smem:$0x7FF] =	sst s2;
	s3 =	sadd.s32 $0x2200, s9;
	s7 =	sand.u32 $0x1, s4  }
0x6: {  	s6 =	sshll.u32 s1, $0x1;
	s4 =	sadd.s32 $0xE800, s9;
	s5 =	sadd.s32 $0x4A00, s9  }
0x7: {  	_ =	strace $0x80000047;
	s10 =	sor.u32 s7, s6;
	s12 =	ssub.s32 $0x2, s7  }
0x8: {  	s6 =	sadd.s32 $0x2000, s9;
	s11 =	smul.u32 $0x1388, s10;
	s13 =	sshrl.u32 s12, $0x1  }
0x9: {  	s7 =	sadd.s32 $0x3F800, s9;
	s8 =	smul.u32 $0x2710, s10;
	s12 =	ssub.s32 s12, s13  }
0xa: {  	s13 =	simm.s32 $0x1D6A0;
	s11 =	sadd.s32 s11, s9;
	s9 =	smul.u32 $0x9C40, s10  }
0xb: {  	v0 =	vimm.f32 $0.0e+00;
	s10 =	sadd.s32 $0x18600, s11;
	s11 =	smax.u32 s12, $0x1;
	s12 =	simm.s32 $0x1  }
.LBB2_1:
0xc: {  	[tilespmem:s2], [sflag:$0x1] =	stream.linear.gather [hbm4b:s3+s2], $0x13880, $0x38;
	[tilespmem:$0x1D720] =	vst v63  }
0xd: {  	s19 =	smul.u32 $0xA36F, s2  }
0xe: {  	_ =	swait.ge [sflag:s12], $0x13880  }
0xf: {  	[sflag:s12] =	ssyncset.done $0x0;
	s20 =	sshrl.u32 s19, $0x10  }
0x10: {  	[sflag:s12] =	ssyncadd.s32 $0xFFFEC780;
	s19 =	ssub.s32 $0x0, s20  }
0x11: {  	[tilespmem:s13], [sflag:$0x1] =	stream.linear.gather [hbm4b:s6+s2], $0x80, $0x38;
	[tilespmem:$0x1D720] =	vst v63  }
0x12: {  	s19 =	sand.u32 $0xFFFE, s19  }
0x13: {  	s21 =	sshrl.u32 s19, $0x1  }
0x14: {  	s19 =	simm.s32 $0x1;
	s20 =	sadd.s32 s20, s21  }
0x15: {  	s31 =	smul.u32 $0xA36F, s19;
	s20 =	sand.u32 $0xFE00, s20  }
0x16: {  	_ =	swait.ge [sflag:s12], $0x80;
	s22 =	sshrl.u32 s20, $0x9  }
0x17: {  	[sflag:s12] =	ssyncset.done $0x0;
	s21 =	sshrl.u32 s31, $0x10;
	s23 =	smul.u32 $0x271, s22  }
0x18: {  	[sflag:s12] =	ssyncadd.s32 $0xFFFFFF80;
	s20 =	simm.s32 $0x2;
	s24 =	ssub.s32 $0x1, s21  }
0x19: {  	s25 =	smul.u32 $0x9C40, s22;
	s24 =	sand.u32 $0xFFFE, s24;
	s23 =	ssub.s32 $0x0, s23  }
0x1a: {  	s22 =	smul.u32 $0xA36F, s20;
	s24 =	sshrl.u32 s24, $0x1;
	s23 =	sand.u32 $0xFFFF, s23  }
0x1b: {  	s25 =	sshrl.u32 s25, $0x2;
	s24 =	sadd.s32 s21, s24;
	s23 =	sshll.u32 s23, $0x4  }
0x1c: {  	v1 =	vld [tilespmem:$0x1D6A0];
	s21 =	simm.s32 $0x3;
	s24 =	sand.u32 $0xFE00, s24;
	s23 =	sadd.s32 s23, s25  }
.LBB2_2:
0x1d: {  	p0 =	sne.s32 s21, $0x9C3;
	s24 =	sshrl.u32 s24, $0x9  }
0x1e: {  	[tilespmem:s23+$0x13880] =	vst v0;
	s23 =	smov.u32 s19;
	s19 =	smov.u32 s20;
	s20 =	smov.u32 s21  }
0x1f: {  	s25 =	sshrl.u32 s22, $0x10;
	s22 =	smul.u32 $0x271, s24  }
.Ltmp0:
0x20: {  	s26 =	ssub.s32 s19, s25;
	(pc) =	sbr.rel @p0 .LBB2_2-.Ltmp0, $4  }
0x21: {  	s24 =	smul.u32 $0x9C40, s24;
	s26 =	sand.u32 $0xFFFE, s26;
	s23 =	ssub.s32 s23, s22  }
0x22: {  	s22 =	smul.u32 $0xA36F, s21;
	s26 =	sshrl.u32 s26, $0x1;
	s23 =	sand.u32 $0xFFFF, s23  }
0x23: {  	s25 =	sadd.s32 s25, s26;
	s26 =	sshrl.u32 s24, $0x2;
	s23 =	sshll.u32 s23, $0x4  }
0x24: {  	s21 =	sadd.s32 $0x1, s21;
	s24 =	sand.u32 $0xFE00, s25;
	s23 =	sadd.s32 s23, s26  }
0x25: {  	s21 =	sshrl.u32 s22, $0x10  }
0x26: {  	s22 =	ssub.s32 s20, s21  }
0x27: {  	s22 =	sand.u32 $0xFFFE, s22  }
0x28: {  	s22 =	sshrl.u32 s22, $0x1  }
0x29: {  	s21 =	sadd.s32 s21, s22  }
0x2a: {  	s29 =	sshrl.u32 s24, $0x9;
	s21 =	sand.u32 $0xFE00, s21  }
0x2b: {  	s24 =	smul.u32 $0x271, s29;
	s21 =	sshrl.u32 s21, $0x9  }
0x2c: {  	s25 =	smul.u32 $0x271, s21  }
0x2d: {  	s19 =	ssub.s32 s19, s24;
	s22 =	smul.u32 $0x9C40, s29  }
0x2e: {  	s19 =	sand.u32 $0xFFFF, s19;
	s21 =	smul.u32 $0x9C40, s21;
	s30 =	ssub.s32 s20, s25  }
0x2f: {  	s19 =	sshll.u32 s19, $0x4;
	s22 =	sshrl.u32 s22, $0x2;
	s20 =	sand.u32 $0xFFFF, s30  }
0x30: {  	[tilespmem:s23+$0x13880] =	vst v0;
	s19 =	sadd.s32 s19, s22;
	s21 =	sshrl.u32 s21, $0x2;
	s20 =	sshll.u32 s20, $0x4  }
0x31: {  	[tilespmem:s19+$0x13880] =	vst v0;
	s31 =	sadd.s32 s20, s21  }
0x32: {  	s19 =	simm.s32 $0x0;
	s20 =	simm.s32 $0x0;
	[tilespmem:s31+$0x13880] =	vst v0  }
.LBB2_4:
0x33: {  	s21 =	smul.u32 $0x50, s20;
	_ =	sdelay $0x1  }
0x34: {  	s21 =	sadd.s32 s8, s21  }
0x35: {  	s21 =	sshrl.u32 s21, $0x3  }
0x36: {  	s22 =	sadd.s32 s4, s21  }
0x37: {  	[tilespmem:s14], [sflag:$0x1] =	stream.linear.gather [hbm4b:s22+s19], $0x50, $0x38;
	[tilespmem:$0x1D720] =	vst v63  }
0x38: {  	_ =	swait.ge [sflag:s12], $0x50  }
0x39: {  	[sflag:s12] =	ssyncset.done $0x0  }
0x3a: {  	s21 =	sadd.s32 s5, s21;
	[sflag:s12] =	ssyncadd.s32 $0xFFFFFFB0  }
0x3b: {  	[tilespmem:s15], [sflag:$0x1] =	stream.linear.gather [hbm4b:s21+s19], $0x50, $0x38;
	[tilespmem:$0x1D720] =	vst v63  }
0x3c: {  	_ =	swait.ge [sflag:s12], $0x50  }
0x3d: {  	[sflag:s12] =	ssyncset.done $0x0  }
0x3e: {  	s21 =	simm.s32 $0x0;
	[sflag:s12] =	ssyncadd.s32 $0xFFFFFFB0  }
0x3f: {  	v2 =	vld [tilespmem:s21+$0x1D510]  }
0x40: {  	v3 =	vld [tilespmem:s21+$0x1D4C0];
	_ =	sdelay $0x3  }
0x41: {  	v4 =	vadd.s32 $0x9C40, v2;
	_ =	sdelay $0x3  }
0x42: {  	v5 =	vld.idx.msk [tilespmem:v3+s2+$0x0], $0xffff  }
0x43: {  	v4 =	vld.idx.msk [tilespmem:v4+s2+$0x0], $0xffff;
	_ =	sdelay $0x4  }
0x44: {  	v4 =	vadd.f32 v4, v5;
	_ =	sdelay $0x1  }
0x45: {  	v5 =	vmul.f32 $2.000000030e-01, v4  }
0x46: {  	vm0 =	vgt.f32 v4, $0.0e+00  }
0x47: {  	v4 =	vsel vm0, v4, v5  }
0x48: {  	v4 =	vsub.f32 v4, v1;
	_ =	sdelay $0x1  }
0x49: {  	v4 =	vmul.f32 $1.442695020e+00, v4;
	_ =	sdelay $0x1  }
0x4a: {  	(erf) = vpow2.f32 v4;
	_ =	sdelay $0x6  }
0x4b: {  	v4 =	vadd.s32 $0x2710, v3  }
0x4c: {  	v5 =	vadd.s32 $0xC350, v2  }
0x4d: {  	v6 =	vpop (erf)  }
0x4e: {  	[tilespmem:s21+$0x1D560] =	vst v6  }
0x4f: {  	[tilespmem:v3+s16+$0x0] =	vst.idx.add.f32.msk $0xffff, v6  }
0x50: {  	v6 =	vld.idx.msk [tilespmem:v4+s2+$0x0], $0xffff  }
0x51: {  	v5 =	vld.idx.msk [tilespmem:v5+s2+$0x0], $0xffff;
	_ =	sdelay $0x4  }
0x52: {  	v5 =	vadd.f32 v5, v6;
	_ =	sdelay $0x1  }
0x53: {  	v6 =	vmul.f32 $2.000000030e-01, v5  }
0x54: {  	vm13 =	vgt.f32 v5, $0.0e+00  }
0x55: {  	v5 =	vsel vm13, v5, v6  }
0x56: {  	v5 =	vsub.f32 v5, v1;
	_ =	sdelay $0x1  }
0x57: {  	v5 =	vmul.f32 $1.442695020e+00, v5;
	_ =	sdelay $0x1  }
0x58: {  	(erf) = vpow2.f32 v5;
	_ =	sdelay $0x6  }
0x59: {  	v5 =	vadd.s32 $0x4E20, v3  }
0x5a: {  	v63 =	vadd.s32 $0xEA60, v2  }
0x5b: {  	v7 =	vpop (erf)  }
0x5c: {  	[tilespmem:s21+$0x1D5B0] =	vst v7  }
0x5d: {  	[tilespmem:v4+s16+$0x0] =	vst.idx.add.f32.msk $0xffff, v7  }
0x5e: {  	v4 =	vld.idx.msk [tilespmem:v5+s2+$0x0], $0xffff  }
0x5f: {  	v6 =	vld.idx.msk [tilespmem:v63+s2+$0x0], $0xffff;
	_ =	sdelay $0x4  }
0x60: {  	v4 =	vadd.f32 v6, v4;
	_ =	sdelay $0x1  }
0x61: {  	v6 =	vmul.f32 $2.000000030e-01, v4  }
0x62: {  	vm14 =	vgt.f32 v4, $0.0e+00  }
0x63: {  	v4 =	vsel vm14, v4, v6  }
0x64: {  	v4 =	vsub.f32 v4, v1;
	_ =	sdelay $0x1  }
0x65: {  	v4 =	vmul.f32 $1.442695020e+00, v4;
	_ =	sdelay $0x1  }
0x66: {  	(erf) = vpow2.f32 v4;
	_ =	sdelay $0x6  }
0x67: {  	v3 =	vadd.s32 $0x7530, v3  }
0x68: {  	v2 =	vadd.s32 $0x11170, v2  }
0x69: {  	v4 =	vpop (erf)  }
0x6a: {  	[tilespmem:s21+$0x1D600] =	vst v4  }
0x6b: {  	[tilespmem:v5+s16+$0x0] =	vst.idx.add.f32.msk $0xffff, v4  }
0x6c: {  	v4 =	vld.idx.msk [tilespmem:v3+s2+$0x0], $0xffff  }
0x6d: {  	v2 =	vld.idx.msk [tilespmem:v2+s2+$0x0], $0xffff;
	_ =	sdelay $0x4  }
0x6e: {  	v2 =	vadd.f32 v2, v4;
	_ =	sdelay $0x1  }
0x6f: {  	v4 =	vmul.f32 $2.000000030e-01, v2  }
0x70: {  	vm15 =	vgt.f32 v2, $0.0e+00  }
0x71: {  	v2 =	vsel vm15, v2, v4  }
0x72: {  	v2 =	vsub.f32 v2, v1;
	_ =	sdelay $0x1  }
0x73: {  	v2 =	vmul.f32 $1.442695020e+00, v2;
	_ =	sdelay $0x1  }
0x74: {  	s22 =	simm.s32 $0x40;
	(erf) = vpow2.f32 v2  }
.LBB2_5:
0x75: {  	_ =	sdelay $0x5  }
0x76: {  	p0 =	sne.s32 s22, $0x100;
	s23 =	smov.u32 s22;
	s22 =	sadd.s32 $0x40, s22  }
0x77: {  	_ = 	snop  }
0x78: {  	v2 =	vpop (erf)  }
0x79: {  	[tilespmem:s21+$0x1D650] =	vst v2;
	s21 =	sshra.s32 s23, $0x2  }
0x7a: {  	[tilespmem:v3+s16+$0x0] =	vst.idx.add.f32.msk $0xffff, v2  }
0x7b: {  	v2 =	vld [tilespmem:s21+$0x1D510]  }
0x7c: {  	v3 =	vld [tilespmem:s21+$0x1D4C0];
	_ =	sdelay $0x3  }
0x7d: {  	v4 =	vadd.s32 $0x9C40, v2;
	_ =	sdelay $0x3  }
0x7e: {  	v5 =	vld.idx.msk [tilespmem:v3+s2+$0x0], $0xffff  }
0x7f: {  	v4 =	vld.idx.msk [tilespmem:v4+s2+$0x0], $0xffff;
	_ =	sdelay $0x5  }
0x80: {  	v4 =	vadd.f32 v4, v5;
	_ =	sdelay $0x1  }
0x81: {  	v5 =	vmul.f32 $2.000000030e-01, v4  }
0x82: {  	vm0 =	vgt.f32 v4, $0.0e+00  }
0x83: {  	v4 =	vsel vm0, v4, v5  }
0x84: {  	v4 =	vsub.f32 v4, v1;
	_ =	sdelay $0x1  }
0x85: {  	v4 =	vmul.f32 $1.442695020e+00, v4;
	_ =	sdelay $0x1  }
0x86: {  	(erf) = vpow2.f32 v4;
	_ =	sdelay $0x6  }
0x87: {  	v4 =	vadd.s32 $0x2710, v3  }
0x88: {  	v5 =	vadd.s32 $0xC350, v2  }
0x89: {  	v6 =	vpop (erf)  }
0x8a: {  	[tilespmem:s21+$0x1D560] =	vst v6  }
0x8b: {  	[tilespmem:v3+s16+$0x0] =	vst.idx.add.f32.msk $0xffff, v6  }
0x8c: {  	v6 =	vld.idx.msk [tilespmem:v4+s2+$0x0], $0xffff  }
0x8d: {  	v5 =	vld.idx.msk [tilespmem:v5+s2+$0x0], $0xffff;
	_ =	sdelay $0x5  }
0x8e: {  	v5 =	vadd.f32 v5, v6;
	_ =	sdelay $0x1  }
0x8f: {  	v6 =	vmul.f32 $2.000000030e-01, v5  }
0x90: {  	vm0 =	vgt.f32 v5, $0.0e+00  }
0x91: {  	v5 =	vsel vm0, v5, v6  }
0x92: {  	v5 =	vsub.f32 v5, v1;
	_ =	sdelay $0x1  }
0x93: {  	v5 =	vmul.f32 $1.442695020e+00, v5;
	_ =	sdelay $0x1  }
0x94: {  	(erf) = vpow2.f32 v5;
	_ =	sdelay $0x6  }
0x95: {  	v5 =	vadd.s32 $0x4E20, v3  }
0x96: {  	v6 =	vadd.s32 $0xEA60, v2  }
0x97: {  	v7 =	vpop (erf)  }
0x98: {  	[tilespmem:s21+$0x1D5B0] =	vst v7  }
0x99: {  	[tilespmem:v4+s16+$0x0] =	vst.idx.add.f32.msk $0xffff, v7  }
0x9a: {  	v4 =	vld.idx.msk [tilespmem:v5+s2+$0x0], $0xffff  }
0x9b: {  	v6 =	vld.idx.msk [tilespmem:v6+s2+$0x0], $0xffff;
	_ =	sdelay $0x5  }
0x9c: {  	v4 =	vadd.f32 v6, v4;
	_ =	sdelay $0x1  }
0x9d: {  	v6 =	vmul.f32 $2.000000030e-01, v4  }
0x9e: {  	vm0 =	vgt.f32 v4, $0.0e+00  }
0x9f: {  	v4 =	vsel vm0, v4, v6  }
0xa0: {  	v4 =	vsub.f32 v4, v1;
	_ =	sdelay $0x1  }
0xa1: {  	v4 =	vmul.f32 $1.442695020e+00, v4;
	_ =	sdelay $0x1  }
0xa2: {  	(erf) = vpow2.f32 v4;
	_ =	sdelay $0x6  }
0xa3: {  	v2 =	vadd.s32 $0x11170, v2;
	v3 =	vadd.s32 $0x7530, v3;
	_ =	sdelay $0x1  }
0xa4: {  	v4 =	vpop (erf)  }
0xa5: {  	[tilespmem:s21+$0x1D600] =	vst v4  }
0xa6: {  	[tilespmem:v5+s16+$0x0] =	vst.idx.add.f32.msk $0xffff, v4  }
0xa7: {  	v4 =	vld.idx.msk [tilespmem:v3+s2+$0x0], $0xffff  }
0xa8: {  	v2 =	vld.idx.msk [tilespmem:v2+s2+$0x0], $0xffff;
	_ =	sdelay $0x5  }
0xa9: {  	v2 =	vadd.f32 v2, v4;
	_ =	sdelay $0x1  }
0xaa: {  	vm0 =	vgt.f32 v2, $0.0e+00;
	v4 =	vmul.f32 $2.000000030e-01, v2;
	_ =	sdelay $0x1  }
0xab: {  	v2 =	vsel vm0, v2, v4  }
.Ltmp1:
0xac: {  	v2 =	vsub.f32 v2, v1;
	(pc) =	sbr.rel @p0 .LBB2_5-.Ltmp1, $3  }
0xad: {  	_ = 	snop  }
0xae: {  	v2 =	vmul.f32 $1.442695020e+00, v2;
	_ =	sdelay $0x1  }
0xaf: {  	(erf) = vpow2.f32 v2  }
0xb0: {  	_ =	sdelay $0x5  }
0xb1: {  	s22 =	smul.u32 $0x140, s20;
	_ =	sdelay $0x1  }
0xb2: {  	s20 =	sadd.s32 $0x1, s20;
	s22 =	sadd.s32 s9, s22;
	v2 =	vpop (erf)  }
0xb3: {  	p0 =	sne.s32 s20, $0x7D;
	s31 =	sshrl.u32 s22, $0x3;
	[tilespmem:s21+$0x1D650] =	vst v2  }
.Ltmp2:
0xb4: {  	s21 =	sadd.s32 s7, s31;
	[tilespmem:v3+s16+$0x0] =	vst.idx.add.f32.msk $0xffff, v2;
	(pc) =	sbr.rel @p0 .LBB2_4-.Ltmp2, $4  }
0xb5: {  	[hbm4b:s21+s2] =	stream.linear.scatter [tilespmem:s17], [sflag:$0x1], $0x140, $0x38;
	[tilespmem:$0x1D720] =	vst v63  }
0xb6: {  	_ =	swait.ge [sflag:s12], $0x140  }
0xb7: {  	[sflag:s12] =	ssyncset.done $0x0  }
0xb8: {  	[sflag:s12] =	ssyncadd.s32 $0xFFFFFEC0  }
0xb9: {  	s18 =	sadd.s32 $0x1, s18  }
0xba: {  	p0 =	sne.s32 s18, s11  }
.Ltmp3:
0xbb: {  	_ = 	snop;
	(pc) =	sbr.rel @p0 .LBB2_1-.Ltmp3, $4  }
0xbc: {  	[hbm4b:s10+s2] =	stream.linear.scatter [tilespmem:s16], [sflag:$0x1], $0x9C40, $0x38;
	[tilespmem:$0x1D720] =	vst v63  }
0xbd: {  	_ =	swait.ge [sflag:s12], $0x9C40  }
0xbe: {  	[sflag:s12] =	ssyncset.done $0x0  }
0xbf: {  	[sflag:s12] =	ssyncadd.s32 $0xFFFF63C0  }
0xc0: {  	_ =	sfence.sel $0x180000  }
0xc1: {  	[bflag:$0x0] =	sbarrier.arrive $0xFFFF  }
0xc2: {  	p0 =	sne.s32 s1, $0x0;
	_ =	strace $0x90000047  }
0xc3: {  	s0 =	sadd.s32 @!p0 $0x100000, s0;
	[bflag:$0x2] =	sbarrier.arrive $0xFFFF  }
0xc4: {  	[sflag:s0] =	ssyncadd.tile.s32 @!p0 $0x1;
	_ =	shalt  }
.Lfunc_end2:
_tile_overlayer_lowered:
.L_overlay_start_2:
0xc5: {  	(tag) =	ssettag $0x2  }
0xc6: {  	s0 =	rddreg [dreg:$0x0];
	s2 =	stileid.u32  }
0xc7: {  	s1 =	rddreg [dreg:$0x1];
	p0 =	sne.s32 s2, $0x0  }
0xc8: {  	s3 =	rddreg [dreg:$0x2];
	[bflag:$0x3] =	sbarrier.arrive $0xFFFF;
	s2 =	simm.s32 @!p0 $0x1C01  }
0xc9: {  	[timem:s3], [sflag:s2] =	dma.local @!p0 [hbm:s0], s1  }
0xca: {  	s0 =	simm.s32 @!p0 $0x1  }
0xcb: {  	_ =	swait.ge @!p0 [sflag:s0], s1  }
0xcc: {  	s1 =	ssub.s32 @!p0 $0x0, s1;
	[sflag:s0] =	ssyncset.done @!p0 $0x0  }
0xcd: {  	[sflag:s0] =	ssyncadd.s32 @!p0 s1  }
0xce: {  	[bflag:$0x3] =	sbarrier.arrive $0xFFFF  }
0xcf: {  	_ =	shalt  }

// kernel: kernel.9.cloned.1.call-start
scs
__scs_entry_jumppad:
0x0: {  	(pc) =	sbr.rel $0x88, $3  }
0x1: {  	(tag) =	ssettag $0x0;
	lr =	simm.s32 $0x1  }
0x2: {  	[smem:$0x3F9C] =	sst lr;
	_ =	strace $0xD0000000  }
0x3: {  	_ = 	snop  }
0x4: {  	_ = 	snop  }
0x5: {  	_ = 	snop  }
0x6: {  	_ = 	snop  }
0x7: {  	_ = 	snop  }
__scs_overlays_trampoline_lowered:
0x8: {  	[smem:$0x3FAB] =	sst s0  }
0x9: {  	[smem:$0x3FAC] =	sst s1  }
0xa: {  	[smem:$0x3FAD] =	sst s2  }
0xb: {  	[smem:$0x3FAE] =	sst s3  }
0xc: {  	[smem:$0x3FAF] =	sst s4  }
0xd: {  	[smem:$0x3FB0] =	sst s5  }
0xe: {  	[smem:$0x3FB1] =	sst s6  }
0xf: {  	[smem:$0x3FB2] =	sst s7  }
0x10: {  	[smem:$0x3FB3] =	sst s8  }
0x11: {  	[smem:$0x3FB4] =	sst s9;
	s0 =	simm.s32 @!p0 $0x0  }
0x12: {  	s1 =	sld [smem:$0x3F9A];
	s0 =	simm.s32 @p0 $0x1  }
0x13: {  	[smem:$0x3FB5] =	sst s0;
	s0 =	simm.s32 @!p1 $0x0  }
0x14: {  	s2 =	sld [smem:$0x3F99];
	s0 =	simm.s32 @p1 $0x1  }
0x15: {  	[smem:$0x3FB6] =	sst s0;
	s0 =	simm.s32 @!p2 $0x0  }
0x16: {  	s3 =	sld [smem:$0x3FDB];
	s0 =	simm.s32 @p2 $0x1  }
0x17: {  	s4 =	simm.s32 $0x1BF5;
	[smem:$0x3FB8] =	sst s0  }
0x18: {  	s0 =	sld [smem:$0x3F9B];
	_ =	swait.ge [sflag:s4], $0x0  }
0x19: {  	s7 =	sld [smem:$0x3F9C]  }
0x1a: {  	s8 =	sadd.s32 $0xFFFFE003, lr  }
0x1b: {  	s9 =	sadd.s32 $0xFFFFFEF7, lr;
	s5 =	simm.s32 $0xFFFFFFFF;
	p2 =	slt.u32 s8, $0xFFFFF086  }
0x1c: {  	p1 =	slt.u32 s9, $0xF7A;
	s5 =	simm.s32 @!p2 $0x0  }
0x1d: {  	s5 =	simm.s32 @p1 $0x1;
	p0 =	seq.s32 s7, s2  }
0x1e: {  	s7 =	smul.u32 @!p0 $0xF7A, s2;
	p2 =	seq.s32 @!p0 s5, $0x0  }
0x1f: {  	s9 =	smul.u32 $0xF7A, s1;
	s8 =	simm.s32 @!p0 $0x1BF5;
	p2 =	por !p2, p0  }
0x20: {  	[sflag:s8] =	ssyncset.s32 @!p0 $0xFFFFF086;
	s6 =	sadd.s32 @!p0 s3, s7;
	s7 =	simm.s32 @!p0 $0x108  }
0x21: {  	s3 =	sadd.s32 s3, s9;
	s6 =	sadd.s32 @!p0 $0x88, s6;
	s7 =	simm.s32 @p2 $0x1082  }
0x22: {  	[simem:s7], [sflag:s8] =	dma.local @!p0 [hbm:s6], $0xF7A  }
0x23: {  	s9 =	sor.u32 $0xD0000000, s2;
	s6 =	simm.s32 $0x108;
	_ =	swait.ge @!p0 [sflag:s8], $0x0  }
0x24: {  	s3 =	sadd.s32 $0x88, s3;
	s6 =	simm.s32 @!p1 $0x1082;
	[sflag:s4] =	ssyncset.s32 $0xFFFFF086  }
0x25: {  	[simem:s6], [sflag:s4] =	dma.local [hbm:s3], $0xF7A  }
0x26: {  	[smem:$0x3F9C] =	sst s1;
	(tag) =	ssettag s2;
	_ =	strace s9  }
0x27: {  	s1 =	sld [smem:$0x3FAC]  }
0x28: {  	s2 =	sld [smem:$0x3FAD]  }
0x29: {  	s4 =	sld [smem:$0x3FAF]  }
0x2a: {  	p0 =	seq.s32 s5, $0x0;
	s5 =	sld [smem:$0x3FB0]  }
0x2b: {  	s6 =	sld [smem:$0x3FB1]  }
0x2c: {  	s7 =	sld [smem:$0x3FB2]  }
0x2d: {  	s3 =	simm.s32 $0x108;
	s8 =	sld [smem:$0x3FB3]  }
0x2e: {  	s3 =	simm.s32 @!p0 $0x1082;
	s9 =	sld [smem:$0x3FB4]  }
0x2f: {  	lr =	sadd.s32 s0, s3;
	s0 =	sld [smem:$0x3FAB]  }
0x30: {  	s3 =	sld [smem:$0x3FAE]  }
0x31: {  	[smem:$0x3FB7] =	sst s10  }
0x32: {  	s10 =	sld [smem:$0x3FB5];
	_ =	sdelay $0x3  }
0x33: {  	p0 =	seq.s32 s10, $0x1;
	s10 =	sld [smem:$0x3FB7];
	_ =	sdelay $0x3  }
0x34: {  	[smem:$0x3FB7] =	sst s10  }
0x35: {  	s10 =	sld [smem:$0x3FB6];
	_ =	sdelay $0x3  }
0x36: {  	p1 =	seq.s32 s10, $0x1;
	s10 =	sld [smem:$0x3FB7];
	_ =	sdelay $0x3  }
0x37: {  	[smem:$0x3FB7] =	sst s10  }
0x38: {  	s10 =	sld [smem:$0x3FB8]  }
0x39: {  	_ = 	snop;
	(pc) =	sbr.ind lr, $3  }
0x3a: {  	_ = 	snop  }
0x3b: {  	_ = 	snop  }
0x3c: {  	p2 =	seq.s32 s10, $0x1;
	s10 =	sld [smem:$0x3FB7]  }
0x3d: {  	_ =	shalt  }
0x3e: {  	_ =	shalt  }
0x3f: {  	_ =	shalt  }
0x40: {  	_ =	shalt  }
0x41: {  	_ =	shalt  }
0x42: {  	_ =	shalt  }
0x43: {  	_ =	shalt  }
0x44: {  	_ =	shalt  }
0x45: {  	_ =	shalt  }
0x46: {  	_ =	shalt  }
0x47: {  	_ =	shalt  }
0x48: {  	_ =	shalt  }
0x49: {  	_ =	shalt  }
0x4a: {  	_ =	shalt  }
0x4b: {  	_ =	shalt  }
0x4c: {  	_ =	shalt  }
0x4d: {  	_ =	shalt  }
0x4e: {  	_ =	shalt  }
0x4f: {  	_ =	shalt  }
0x50: {  	_ =	shalt  }
0x51: {  	_ =	shalt  }
0x52: {  	_ =	shalt  }
0x53: {  	_ =	shalt  }
0x54: {  	_ =	shalt  }
0x55: {  	_ =	shalt  }
0x56: {  	_ =	shalt  }
0x57: {  	_ =	shalt  }
0x58: {  	_ =	shalt  }
0x59: {  	_ =	shalt  }
0x5a: {  	_ =	shalt  }
0x5b: {  	_ =	shalt  }
0x5c: {  	_ =	shalt  }
0x5d: {  	_ =	shalt  }
0x5e: {  	_ =	shalt  }
0x5f: {  	_ =	shalt  }
0x60: {  	_ =	shalt  }
0x61: {  	_ =	shalt  }
0x62: {  	_ =	shalt  }
0x63: {  	_ =	shalt  }
0x64: {  	_ =	shalt  }
0x65: {  	_ =	shalt  }
0x66: {  	_ =	shalt  }
0x67: {  	_ =	shalt  }
0x68: {  	_ =	shalt  }
0x69: {  	_ =	shalt  }
0x6a: {  	_ =	shalt  }
0x6b: {  	_ =	shalt  }
0x6c: {  	_ =	shalt  }
0x6d: {  	_ =	shalt  }
0x6e: {  	_ =	shalt  }
0x6f: {  	_ =	shalt  }
0x70: {  	_ =	shalt  }
0x71: {  	_ =	shalt  }
0x72: {  	_ =	shalt  }
0x73: {  	_ =	shalt  }
0x74: {  	_ =	shalt  }
0x75: {  	_ =	shalt  }
0x76: {  	_ =	shalt  }
0x77: {  	_ =	shalt  }
0x78: {  	_ =	shalt  }
0x79: {  	_ =	shalt  }
0x7a: {  	_ =	shalt  }
0x7b: {  	_ =	shalt  }
0x7c: {  	_ =	shalt  }
0x7d: {  	_ =	shalt  }
0x7e: {  	_ =	shalt  }
0x7f: {  	_ =	shalt  }
0x80: {  	_ =	shalt  }
0x81: {  	_ =	shalt  }
0x82: {  	_ =	shalt  }
0x83: {  	_ =	shalt  }
0x84: {  	_ =	shalt  }
0x85: {  	_ =	shalt  }
0x86: {  	_ =	shalt  }
0x87: {  	_ =	shalt  }
.Lfunc_end0:
.L_simem_size_0:
called_computation.1_lowered:
.L_overlay_start_0:
0x88: {  	s2 =	sld [smem:$0x3FD9]  }
0x89: {  	s3 =	sld [smem:$0x3FFE];
	_ =	sdelay $0x1  }
0x8a: {  	s1 =	srdreg.scid  }
0x8b: {  	s0 =	sand.u32 $0x1, s1  }
0x8c: {  	s17 =	sshll.u32 s0, $0xA;
	s2 =	sadd.s32 s3, s2  }
0x8d: {  	s2 =	sadd.s32 s2, s17  }
0x8e: {  	[smem:$0x3FC3] =	sst s2  }
0x8f: {  	_ = 	snop  }
0x90: {  	s2 =	sld [smem:$0x3FD0];
	(tm) =	ssettm $0x1  }
0x91: {  	s18 =	sld [smem:$0x3FFB];
	_ =	sdelay $0x3  }
0x92: {  	_ =	strace s18  }
0x93: {  	s3 =	sld [smem:$0x3FFC];
	_ =	sdelay $0x3  }
0x94: {  	_ =	strace s3  }
0x95: {  	s3 =	sld [smem:$0x3FFD];
	_ =	sdelay $0x3  }
0x96: {  	_ =	strace s3  }
0x97: {  	_ =	strace $0x8FFFFFFF  }
0x98: {  	s19 =	sld [smem:$0x3FDB];
	_ =	sdelay $0x1  }
0x99: {  	s4 =	simm.s32 $_scs_section_size  }
0x9a: {  	s5 =	simm.s32 $_size__tile_overlayer_lowered;
	s6 =	simm.s32 $_tile_overlayer_lowered  }
0x9b: {  	s22 =	simm.s32 $0x1BFF;
	s21 =	sshll.u32 s6, $0x1;
	s3 =	sadd.s32 s4, s19  }
0x9c: {  	s7 =	simm.s32 $0x0;
	s20 =	sshll.u32 s5, $0x1;
	s5 =	sadd.s32 s21, s3  }
0x9d: {  	[timem:s7], [sflag:s22] =	dma.local [hbm:s5], s20  }
0x9e: {  	_ =	swait.ge [sflag:s22], s20  }
0x9f: {  	s4 =	ssub.s32 $0x0, s20;
	[sflag:s22] =	ssyncset.done $0x0  }
0xa0: {  	[sflag:s22] =	ssyncadd.s32 s4;
	_ =	sdelay $0x1  }
0xa1: {  	s23 =	simm.s32 $0x1B8B  }
0xa2: {  	_ =	swait.ge [sflag:s23], $0x1  }
0xa3: {  	[sflag:s23] =	ssyncset.done $0x0  }
0xa4: {  	s25 =	simm.s32 $0x1B8E;
	s24 =	sld [smem:$0x3FFE];
	[sflag:s23] =	ssyncadd.s32 $0xFFFFFFFF  }
0xa5: {  	s26 =	simm.s32 $execute0_lowered;
	[smem:$0x3FD2] =	sst s25  }
0xa6: {  	s5 =	sshll.u32 s26, $0x1;
	_ =	strace $0x80000049;
	[dreg:$0x1] =	wrdreg $0xFFFFFFFF  }
0xa7: {  	s28 =	simm.s32 $_size_execute0_lowered;
	s3 =	sadd.s32 s3, s5;
	[dreg:$0x0] =	wrdreg $0x0  }
0xa8: {  	s5 =	sshll.u32 s28, $0x1;
	[dreg:$0x2] =	wrdreg s3  }
0xa9: {  	[dreg:$0x3] =	wrdreg s5  }
0xaa: {  	[dreg:$0x4] =	wrdreg $0xC0  }
0xab: {  	_ =	task [dreg:s7], $0x5FFFF  }
0xac: {  	[dreg:$0x1] =	wrdreg $0xFFFFFFFF  }
0xad: {  	[dreg:$0x0] =	wrdreg $0x60  }
0xae: {  	[dreg:$0x2] =	wrdreg s2  }
0xaf: {  	[dreg:$0x3] =	wrdreg s24  }
0xb0: {  	[dreg:$0x4] =	wrdreg $0x29E00  }
0xb1: {  	[dreg:$0x5] =	wrdreg $0x9  }
0xb2: {  	_ =	task.clear_ibuf [dreg:s7], $0x6FFFF;
	_ =	strace $0x90000049  }
0xb3: {  	s29 =	simm.s32 $0x9;
	_ =	strace $0x8000004B  }
0xb4: {  	_ =	swait.ge [sflag:s29], $0x1  }
0xb5: {  	[sflag:s29] =	ssyncadd.s32 $0xFFFFFFFF  }
0xb6: {  	_ =	strace $0x9000004B  }
0xb7: {  	_ =	sfence  }
0xb8: {  	s30 =	sld [smem:$0x0];
	_ =	sdelay $0x2  }
0xb9: {  	s31 =	sshll.u32 s1, $0xD;
	s1 =	sshrl.u32 s1, $0x2  }
0xba: {  	s3 =	sand.u32 $0x4000, s31;
	s1 =	sadd.s32 s1, s30  }
0xbb: {  	s0 =	sor.u32 s3, s0;
	s1 =	sshll.u32 s1, $0x11  }
0xbc: {  	s0 =	sor.u32 s1, s0  }
0xbd: {  	s0 =	sadd.s32 $0x8F2B, s0  }
0xbe: {  	[sflag:s0] =	ssyncadd.remote.s32 $0x1  }
0xbf: {  	_ =	sfence.sel $0xFFFF  }
0xc0: {  	[dreg:$0x0] =	wrdreg $0xFFFFFFFF;
	(pc) =	sbr.abs _section_cstart, $3  }
0xc1: {  	[dreg:$0x1] =	wrdreg $0xFFFFFFFF  }
0xc2: {  	_ =	task.clear_ibuf [dreg:s7], $0x2FFFF;
	_ =	strace $0x9FFFFFFF  }
0xc3: {  	(tm) =	ssettm $0x7FFFFFFF  }
tec
execute0_lowered:
.L_overlay_start_1:
0x0: {  	(tag) =	ssettag $0x1  }
0x1: {  	s1 =	rddreg [dreg:$0x0]  }
0x2: {  	s9 =	rddreg [dreg:$0x1]  }
0x3: {  	s2 =	rddreg [dreg:$0x2]  }
0x4: {  	s0 =	rddreg [dreg:$0x3];
	s4 =	simm.s32 $0x0  }
0x5: {  	s5 =	srdreg.scid;
	s3 =	stileid.u32;
	s17 =	simm.s32 $0x2850  }
0x6: {  	s18 =	simm.s32 $0x28A0;
	s19 =	simm.s32 $0x50;
	s20 =	simm.s32 $0x1  }
0x7: {  	s21 =	simm.s32 $0x0;
	[smem:$0x7FF] =	sst s4;
	s10 =	sand.u32 $0x1, s5  }
0x8: {  	s7 =	sshll.u32 s3, $0x1;
	s5 =	sadd.s32 $0xE800, s9;
	s15 =	smul.u32 $0x50000, s3  }
0x9: {  	s6 =	sadd.s32 $0x4A00, s9;
	p0 =	seq.s32 s3, $0xF;
	s16 =	smul.u32 $0x14000, s3  }
0xa: {  	_ =	strace $0x8000004A;
	s11 =	sor.u32 s10, s7;
	s7 =	sadd.s32 $0x3F800, s9  }
0xb: {  	s12 =	ssub.s32 $0x2, s10;
	s9 =	sadd.s32 $0x66A00, s9;
	s14 =	smul.u32 $0x138800, s10  }
0xc: {  	s10 =	simm.s32 $0x5;
	s8 =	smul.u32 $0x2710, s11;
	s13 =	sshrl.u32 s12, $0x1  }
0xd: {  	s10 =	simm.s32 @!p0 $0x8;
	s11 =	smul.u32 $0x9C40, s11;
	s31 =	sshrl.u32 s15, $0x2  }
0xe: {  	s15 =	simm.s32 $0x2;
	s12 =	ssub.s32 s12, s13;
	s13 =	sadd.s32 s31, s2  }
0xf: {  	v0 =	vimm.f32 $0.0e+00;
	s14 =	sadd.s32 s16, s14;
	s16 =	simm.s32 $0x2800;
	s12 =	smax.u32 s12, $0x1  }
.LBB2_1:
0x10: {  	s22 =	sand.u32 $0xFE00, s4  }
0x11: {  	s23 =	sand.u32 $0x70, s4;
	s24 =	sshrl.u32 s22, $0x2  }
0x12: {  	s22 =	simm.s32 $0x40;
	s24 =	sor.u32 s23, s24;
	s23 =	simm.s32 $0x0  }
.LBB2_2:
0x13: {  	p0 =	sne.s32 s22, $0x9FC0  }
0x14: {  	[tilespmem:s24+$0x0] =	vst v0;
	s23 =	sadd.s32 $0x10, s23;
	s24 =	smov.u32 s22;
	s22 =	sadd.s32 $0x40, s22  }
.Ltmp0:
0x15: {  	(pc) =	sbr.rel @p0 .LBB2_2-.Ltmp0, $4  }
0x16: {  	_ = 	snop  }
0x17: {  	s24 =	sand.u32 $0xFE00, s24  }
0x18: {  	s25 =	sand.u32 $0x70, s23;
	s24 =	sshrl.u32 s24, $0x2  }
0x19: {  	s24 =	sor.u32 s25, s24  }
0x1a: {  	p0 =	sne.s32 s10, $0x1  }
.Ltmp1:
0x1b: {  	_ = 	snop;
	(pc) =	sbr.rel @!p0 .LBB2_5-.Ltmp1, $4  }
0x1c: {  	[tilespmem:s24+$0x0] =	vst v0  }
0x1d: {  	[spmem:s13] =	stream.linear.scatter [tilespmem:s4], [sflag:$0x2], $0x2800, $0x38;
	[tilespmem:$0x16260] =	vst v63  }
0x1e: {  	_ =	swait.ge [sflag:s15], $0x2800  }
0x1f: {  	s22 =	sadd.s32 $0xFFFFFFFF, s10;
	s23 =	smov.u32 s13;
	[sflag:s15] =	ssyncset.done $0x0  }
.LBB2_4:
0x20: {  	p1 =	sne.s32 s22, $0x1;
	[sflag:s15] =	ssyncadd.s32 $0xFFFFD800;
	s23 =	sadd.s32 $0x2800, s23  }
.Ltmp2:
0x21: {  	s22 =	sadd.s32 $0xFFFFFFFF, s22;
	(pc) =	sbr.rel @p1 .LBB2_4-.Ltmp2, $4  }
0x22: {  	_ = 	snop  }
0x23: {  	[spmem:s23] =	stream.linear.scatter [tilespmem:s4], [sflag:$0x2], $0x2800, $0x38;
	[tilespmem:$0x16260] =	vst v63  }
0x24: {  	_ =	swait.ge [sflag:s15], $0x2800  }
0x25: {  	[sflag:s15] =	ssyncset.done $0x0  }
.LBB2_5:
0x26: {  	[sflag:s15] =	ssyncadd.s32 $0xFFFFD800  }
0x27: {  	s22 =	simm.s32 $0x0;
	s23 =	simm.s32 $0x0;
	[bflag:$0x0] =	sbarrier.arrive $0xFFFF  }
.LBB2_6:
0x28: {  	s24 =	smul.u32 $0x50, s23;
	_ =	sdelay $0x1  }
0x29: {  	s24 =	sadd.s32 s8, s24  }
0x2a: {  	s24 =	sshrl.u32 s24, $0x3  }
0x2b: {  	s25 =	sadd.s32 s5, s24  }
0x2c: {  	[tilespmem:s16], [sflag:$0x2] =	stream.linear.gather [hbm4b:s25+s22], $0x50, $0x38;
	[tilespmem:$0x16260] =	vst v63  }
0x2d: {  	_ =	swait.ge [sflag:s15], $0x50  }
0x2e: {  	[sflag:s15] =	ssyncset.done $0x0  }
0x2f: {  	s29 =	smul.u32 $0x140, s23;
	s24 =	sadd.s32 s6, s24;
	[sflag:s15] =	ssyncadd.s32 $0xFFFFFFB0  }
0x30: {  	[tilespmem:s17], [sflag:$0x2] =	stream.linear.gather [hbm4b:s24+s22], $0x50, $0x38;
	[tilespmem:$0x16260] =	vst v63  }
0x31: {  	s30 =	sadd.s32 s11, s29;
	_ =	swait.ge [sflag:s15], $0x50  }
0x32: {  	s24 =	sshrl.u32 s30, $0x3;
	[sflag:s15] =	ssyncset.done $0x0  }
0x33: {  	s24 =	sadd.s32 s7, s24;
	[sflag:s15] =	ssyncadd.s32 $0xFFFFFFB0  }
0x34: {  	[tilespmem:s18], [sflag:$0x2] =	stream.linear.gather [hbm4b:s24+s22], $0x140, $0x38;
	[tilespmem:$0x16260] =	vst v63  }
0x35: {  	_ =	swait.ge [sflag:s15], $0x140  }
0x36: {  	[sflag:s15] =	ssyncset.done $0x0  }
0x37: {  	v1 =	vmov s22;
	[sflag:s15] =	ssyncadd.s32 $0xFFFFFEC0  }
0x38: {  	[tilespmem:s22], [sflag:$0x1] =	stream.indirect.gather [hbm4b:s1+s19], $0x80, s17, s19, $0xb8;
	[tilespmem:$0x16260] =	vst v63  }
0x39: {  	_ =	swait.ge [sflag:s20], $0x2800  }
0x3a: {  	[sflag:s20] =	ssyncset.done $0x0  }
0x3b: {  	[sflag:s20] =	ssyncadd.s32 $0xFFFFD800  }
0x3c: {  	s24 =	simm.s32 $0x40;
	v2 =	vld.idx.msk [tilespmem:v1+s18+$0x0], $0xffff  }
0x3d: {  	v3 =	vld [tilespmem:s24+$0xFFFFFFC0]  }
0x3e: {  	v4 =	vld [tilespmem:s24+$0xFFFFFFD0];
	_ =	sdelay $0x1  }
0x3f: {  	v1 =	vand.u32 $0x7F, v1  }
0x40: {  	v5 =	vadd.s32 $0x50, v1  }
0x41: {  	v3 =	vmul.f32 v3, v2  }
0x42: {  	v2 =	vmul.f32 v4, v2  }
0x43: {  	[tilespmem:s24+$0xFFFFFFC0] =	vst v3  }
0x44: {  	[tilespmem:s24+$0xFFFFFFD0] =	vst v2;
	v3 =	vld [tilespmem:s24+$0xFFFFFFE0]  }
0x45: {  	v2 =	vld.idx.msk [tilespmem:v5+s18+$0x0], $0xffff  }
0x46: {  	v4 =	vld [tilespmem:s24+$0xFFFFFFF0];
	_ =	sdelay $0x2  }
0x47: {  	v5 =	vadd.s32 $0xA0, v1  }
0x48: {  	v3 =	vmul.f32 v3, v2  }
0x49: {  	v2 =	vmul.f32 v4, v2  }
0x4a: {  	[tilespmem:s24+$0xFFFFFFE0] =	vst v3  }
0x4b: {  	[tilespmem:s24+$0xFFFFFFF0] =	vst v2;
	v2 =	vld [tilespmem:s24+$0x10]  }
0x4c: {  	v3 =	vld.idx.msk [tilespmem:v5+s18+$0x0], $0xffff  }
0x4d: {  	v4 =	vld [tilespmem:s24+$0x0];
	_ =	sdelay $0x2  }
0x4e: {  	v1 =	vadd.s32 $0xF0, v1  }
0x4f: {  	v2 =	vmul.f32 v2, v3  }
0x50: {  	v3 =	vmul.f32 v4, v3  }
0x51: {  	[tilespmem:s24+$0x10] =	vst v2  }
0x52: {  	[tilespmem:s24+$0x0] =	vst v3;
	v3 =	vld [tilespmem:s24+$0x20]  }
0x53: {  	v4 =	vld.idx.msk [tilespmem:v1+s18+$0x0], $0xffff  }
0x54: {  	v2 =	vld [tilespmem:s24+$0x30];
	_ =	sdelay $0x1  }
0x55: {  	s31 =	simm.s32 $0x1  }
0x56: {  	v1 =	vmov s31  }
0x57: {  	v3 =	vmul.f32 v3, v4  }
0x58: {  	s25 =	simm.s32 $0x2;
	v2 =	vmul.f32 v2, v4  }
.LBB2_7:
0x59: {  	p1 =	sne.s32 s25, $0x4F;
	[tilespmem:s24+$0x20] =	vst v3  }
0x5a: {  	[tilespmem:s24+$0x30] =	vst v2  }
0x5b: {  	s24 =	sadd.s32 $0x80, s24;
	v2 =	vld.idx.msk [tilespmem:v1+s18+$0x0], $0xffff  }
0x5c: {  	v3 =	vld [tilespmem:s24+$0xFFFFFFC0]  }
0x5d: {  	v4 =	vld [tilespmem:s24+$0xFFFFFFD0];
	_ =	sdelay $0x1  }
0x5e: {  	v1 =	vand.u32 $0x7F, v1  }
0x5f: {  	v5 =	vadd.s32 $0x50, v1  }
0x60: {  	v3 =	vmul.f32 v3, v2  }
0x61: {  	v2 =	vmul.f32 v4, v2  }
0x62: {  	[tilespmem:s24+$0xFFFFFFC0] =	vst v3  }
0x63: {  	[tilespmem:s24+$0xFFFFFFD0] =	vst v2  }
0x64: {  	v2 =	vld.idx.msk [tilespmem:v5+s18+$0x0], $0xffff  }
0x65: {  	v3 =	vld [tilespmem:s24+$0xFFFFFFE0]  }
0x66: {  	v4 =	vld [tilespmem:s24+$0xFFFFFFF0];
	_ =	sdelay $0x2  }
0x67: {  	v5 =	vadd.s32 $0xA0, v1  }
0x68: {  	v3 =	vmul.f32 v3, v2  }
0x69: {  	v2 =	vmul.f32 v4, v2  }
0x6a: {  	[tilespmem:s24+$0xFFFFFFE0] =	vst v3  }
0x6b: {  	[tilespmem:s24+$0xFFFFFFF0] =	vst v2;
	v2 =	vld [tilespmem:s24+$0x10]  }
0x6c: {  	v3 =	vld.idx.msk [tilespmem:v5+s18+$0x0], $0xffff  }
0x6d: {  	v4 =	vld [tilespmem:s24+$0x0];
	_ =	sdelay $0x3  }
0x6e: {  	v1 =	vadd.s32 $0xF0, v1  }
0x6f: {  	v2 =	vmul.f32 v2, v3;
	v4 =	vmul.f32 v4, v3;
	_ =	sdelay $0x1  }
0x70: {  	[tilespmem:s24+$0x10] =	vst v2  }
0x71: {  	[tilespmem:s24+$0x0] =	vst v4;
	v2 =	vld [tilespmem:s24+$0x30]  }
0x72: {  	v4 =	vld.idx.msk [tilespmem:v1+s18+$0x0], $0xffff  }
0x73: {  	v3 =	vld [tilespmem:s24+$0x20];
	_ =	sdelay $0x1  }
.Ltmp3:
0x74: {  	(pc) =	sbr.rel @p1 .LBB2_7-.Ltmp3, $4  }
0x75: {  	_ = 	snop  }
0x76: {  	v1 =	vmov s25  }
0x77: {  	v2 =	vmul.f32 v2, v4;
	v3 =	vmul.f32 v3, v4  }
0x78: {  	s25 =	sadd.s32 $0x1, s25  }
0x79: {  	_ =	sdelay $0x1  }
0x7a: {  	[tilespmem:s24+$0x20] =	vst v3  }
0x7b: {  	[tilespmem:s24+$0x30] =	vst v2  }
0x7c: {  	s31 =	sadd.s32 $0x80, s24;
	v2 =	vld.idx.msk [tilespmem:v1+s18+$0x0], $0xffff  }
0x7d: {  	v3 =	vld [tilespmem:s31+$0xFFFFFFC0]  }
0x7e: {  	v4 =	vld [tilespmem:s31+$0xFFFFFFD0];
	_ =	sdelay $0x1  }
0x7f: {  	v1 =	vand.u32 $0x7F, v1  }
0x80: {  	v5 =	vadd.s32 $0x50, v1  }
0x81: {  	v3 =	vmul.f32 v3, v2  }
0x82: {  	v2 =	vmul.f32 v4, v2  }
0x83: {  	[tilespmem:s31+$0xFFFFFFC0] =	vst v3  }
0x84: {  	[tilespmem:s31+$0xFFFFFFD0] =	vst v2;
	v3 =	vld [tilespmem:s31+$0xFFFFFFE0]  }
0x85: {  	v2 =	vld.idx.msk [tilespmem:v5+s18+$0x0], $0xffff  }
0x86: {  	v61 =	vld [tilespmem:s31+$0xFFFFFFF0];
	_ =	sdelay $0x2  }
0x87: {  	v62 =	vadd.s32 $0xA0, v1  }
0x88: {  	v3 =	vmul.f32 v3, v2  }
0x89: {  	v2 =	vmul.f32 v61, v2  }
0x8a: {  	[tilespmem:s31+$0xFFFFFFE0] =	vst v3  }
0x8b: {  	[tilespmem:s31+$0xFFFFFFF0] =	vst v2;
	v2 =	vld [tilespmem:s31+$0x10]  }
0x8c: {  	v3 =	vld.idx.msk [tilespmem:v62+s18+$0x0], $0xffff  }
0x8d: {  	v63 =	vld [tilespmem:s31+$0x0];
	_ =	sdelay $0x2  }
0x8e: {  	v1 =	vadd.s32 $0xF0, v1  }
0x8f: {  	v2 =	vmul.f32 v2, v3  }
0x90: {  	v3 =	vmul.f32 v63, v3  }
0x91: {  	[tilespmem:s31+$0x10] =	vst v2  }
0x92: {  	[tilespmem:s31+$0x0] =	vst v3;
	v2 =	vld [tilespmem:s31+$0x20]  }
0x93: {  	v1 =	vld.idx.msk [tilespmem:v1+s18+$0x0], $0xffff  }
0x94: {  	v3 =	vld [tilespmem:s31+$0x30];
	_ =	sdelay $0x3  }
0x95: {  	v2 =	vmul.f32 v2, v1  }
0x96: {  	s23 =	sadd.s32 $0x1, s23;
	v1 =	vmul.f32 v3, v1  }
0x97: {  	p1 =	sne.s32 s23, $0x7D;
	[tilespmem:s31+$0x20] =	vst v2  }
.Ltmp4:
0x98: {  	[tilespmem:s31+$0x30] =	vst v1;
	(pc) =	sbr.rel @p1 .LBB2_6-.Ltmp4, $4  }
0x99: {  	[spmem:s2] =	stream.indirect.scatter.add.f32 [tilespmem:s4], [sflag:$0x2], $0x80, s16, s19, $0xb8;
	[tilespmem:$0x16260] =	vst v63  }
0x9a: {  	_ =	swait.ge [sflag:s15], $0x2800  }
0x9b: {  	[sflag:s15] =	ssyncset.done $0x0  }
0x9c: {  	[sflag:s15] =	ssyncadd.s32 $0xFFFFD800  }
.Ltmp5:
0x9d: {  	(pc) =	sbr.rel @!p0 .LBB2_11-.Ltmp5, $4  }
0x9e: {  	[bflag:$0x0] =	sbarrier.arrive $0xFFFF;
	s22 =	sshll.u32 s3, $0x6;
	s23 =	sshrl.u32 s14, $0x3  }
0x9f: {  	s24 =	sshrl.u32 s13, $0x3;
	s23 =	sadd.s32 s9, s23;
	s22 =	sor.u32 $0x1C02, s22  }
0xa0: {  	[hbm:s23], [sflag:s22] =	dma.local [spmem:s24], $0x500  }
0xa1: {  	s25 =	smov.u32 s13;
	s23 =	sadd.s32 $0xFFFFFFFF, s10;
	s24 =	sadd.s32 $0x2800, s14  }
.LBB2_10:
0xa2: {  	_ =	swait.ge [sflag:s15], $0x500  }
0xa3: {  	s25 =	sadd.s32 $0x2800, s25;
	s26 =	sshrl.u32 s24, $0x3;
	p0 =	sne.s32 s23, $0x1  }
.Ltmp6:
0xa4: {  	s28 =	sshrl.u32 s25, $0x3;
	[sflag:s15] =	ssyncset.done $0x0;
	(pc) =	sbr.rel @p0 .LBB2_10-.Ltmp6, $4  }
0xa5: {  	s26 =	sadd.s32 s9, s26;
	[sflag:s15] =	ssyncadd.s32 $0xFFFFFB00  }
0xa6: {  	[hbm:s26], [sflag:s22] =	dma.local [spmem:s28], $0x500  }
0xa7: {  	s23 =	sadd.s32 $0xFFFFFFFF, s23  }
0xa8: {  	s24 =	sadd.s32 $0x2800, s24  }
.LBB2_11:
0xa9: {  	s21 =	sadd.s32 $0x1, s21  }
0xaa: {  	p0 =	sne.s32 s21, s12  }
.Ltmp7:
0xab: {  	_ = 	snop;
	(pc) =	sbr.rel @p0 .LBB2_1-.Ltmp7, $4  }
0xac: {  	_ = 	snop  }
0xad: {  	_ =	swait.ge [sflag:s15], $0x500  }
0xae: {  	[sflag:s15] =	ssyncset.done $0x0  }
0xaf: {  	[sflag:s15] =	ssyncadd.s32 $0xFFFFFB00  }
0xb0: {  	_ =	sfence.sel $0x180000  }
0xb1: {  	[bflag:$0x0] =	sbarrier.arrive $0xFFFF  }
0xb2: {  	p0 =	sne.s32 s3, $0x0;
	_ =	strace $0x9000004A  }
0xb3: {  	s0 =	sadd.s32 @!p0 $0x100000, s0;
	[bflag:$0x2] =	sbarrier.arrive $0xFFFF  }
0xb4: {  	[sflag:s0] =	ssyncadd.tile.s32 @!p0 $0x1;
	_ =	shalt  }
.Lfunc_end2:
_tile_overlayer_lowered:
.L_overlay_start_2:
0xb5: {  	(tag) =	ssettag $0x2  }
0xb6: {  	s0 =	rddreg [dreg:$0x0];
	s2 =	stileid.u32  }
0xb7: {  	s1 =	rddreg [dreg:$0x1];
	p0 =	sne.s32 s2, $0x0  }
0xb8: {  	s3 =	rddreg [dreg:$0x2];
	[bflag:$0x3] =	sbarrier.arrive $0xFFFF;
	s2 =	simm.s32 @!p0 $0x1C02  }
0xb9: {  	[timem:s3], [sflag:s2] =	dma.local @!p0 [hbm:s0], s1  }
0xba: {  	s0 =	simm.s32 @!p0 $0x2  }
0xbb: {  	_ =	swait.ge @!p0 [sflag:s0], s1  }
0xbc: {  	s1 =	ssub.s32 @!p0 $0x0, s1;
	[sflag:s0] =	ssyncset.done @!p0 $0x0  }
0xbd: {  	[sflag:s0] =	ssyncadd.s32 @!p0 s1  }
0xbe: {  	[bflag:$0x3] =	sbarrier.arrive $0xFFFF  }
0xbf: {  	_ =	shalt  }

</sc_bundles>
